<compile_context>
chip_gen: v7x
topology: tpu7x:2x2x1
jax: 0.10.2.dev20260603
libtpu: 0.0.44.dev20260713+nightly
codegen_flags: <defaults>
</compile_context>

<pallas_src>
import functools

import jax
import jax.numpy as jnp
from jax import lax
from jax.experimental import pallas as pl
from jax.experimental.pallas import tpu as pltpu
from jax.experimental.pallas import tpu_sc as plsc

VOCAB = 100000
H = 768
POS = 4096
B = 4
S = 4096

NW = 32
ROWS = B * S
RPW = ROWS // NW
CH = 32
NBUF = 4
NCH = RPW // CH
SCALE = float(H) ** 0.5
EPS = 1e-5

TR = 2048
NTB = ROWS // TR
SB = S // TR

_mesh = plsc.VectorSubcoreMesh(core_axis_name="c", subcore_axis_name="s")


@functools.partial(
    pl.kernel,
    out_type=jax.ShapeDtypeStruct((ROWS, H), jnp.float32),
    mesh=_mesh,
    compiler_params=pltpu.CompilerParams(needs_layout_passes=False),
    scratch_types=[
        pltpu.VMEM((RPW,), jnp.int32),
        pltpu.VMEM((NBUF, CH, H), jnp.float32),
        [pltpu.SemaphoreType.DMA] * NBUF,
    ],
)
def _gather_kernel(ids_hbm, ww_hbm, out_hbm, idx_v, rows_v, sems):
    wid = lax.axis_index("s") * 2 + lax.axis_index("c")
    base = wid * RPW
    pltpu.sync_copy(ids_hbm.at[pl.ds(base, RPW)], idx_v)
    copies = [None] * NBUF
    for p in range(NBUF):
        copies[p] = pltpu.async_copy(
            ww_hbm.at[idx_v.at[pl.ds(p * CH, CH)]], rows_v.at[p], sems[p])
    for c in range(NCH):
        b = c % NBUF
        copies[b].wait()
        pltpu.sync_copy(rows_v.at[b], out_hbm.at[pl.ds(base + c * CH, CH)])
        if c + NBUF < NCH:
            copies[b] = pltpu.async_copy(
                ww_hbm.at[idx_v.at[pl.ds((c + NBUF) * CH, CH)]],
                rows_v.at[b], sems[b])


def _ln_body(g_ref, p_ref, s_ref, ws_ref, ga_ref, be_ref, o_ref):
    x = g_ref[...] * SCALE + p_ref[...]
    sidf = s_ref[0, 0, :].astype(jnp.float32)[:, None]
    x = x + ws_ref[0:1, :] + sidf * (ws_ref[1:2, :] - ws_ref[0:1, :])
    mu = jnp.mean(x, axis=-1, keepdims=True)
    var = jnp.mean(x * x, axis=-1, keepdims=True) - mu * mu
    o_ref[...] = (x - mu) * lax.rsqrt(var + EPS) * ga_ref[...] + be_ref[...]


_ln_call = pl.pallas_call(
    _ln_body,
    grid=(NTB,),
    in_specs=[
        pl.BlockSpec((TR, H), lambda i: ((i % B) * SB + i // B, 0)),
        pl.BlockSpec((TR, H), lambda i: (i // B, 0)),
        pl.BlockSpec((1, 1, TR), lambda i: ((i % B) * SB + i // B, 0, 0)),
        pl.BlockSpec((2, H), lambda i: (0, 0)),
        pl.BlockSpec((1, H), lambda i: (0, 0)),
        pl.BlockSpec((1, H), lambda i: (0, 0)),
    ],
    out_specs=pl.BlockSpec((TR, H), lambda i: ((i % B) * SB + i // B, 0)),
    out_shape=jax.ShapeDtypeStruct((ROWS, H), jnp.float32),
)


def kernel(input_ids, segment_ids, W_word, W_seg, gamma, beta, pos_enc):
    ids = input_ids.reshape(ROWS).astype(jnp.int32)
    seg3 = segment_ids.reshape(NTB, 1, TR).astype(jnp.int32)
    gathered = _gather_kernel(ids, W_word)
    out = _ln_call(gathered, pos_enc, seg3, W_seg,
                   gamma.reshape(1, H), beta.reshape(1, H))
    return out.reshape(B, S, H)

# --- scband reference (transcript-rebuilt; emitter-appended) ---
"""Pipeline reference for scband-transformer-embeddings-51900384804985 (READ-ONLY COPY).

The authoritative reference and input builder live on the scoring server;
editing this copy changes nothing except your own understanding.
"""

import jax, jax.numpy as jnp
import numpy as np

VOCAB = 100000
H = 768
POS = 4096
SEG = 2
B = 4
S = 4096


def get_sinusoid_encoding(position_size, hidden_size):
    pos = np.arange(position_size, dtype=np.float64)[:, None]
    hidden_idx = np.arange(hidden_size)[None, :]
    angle = pos / np.power(10000.0, 2 * (hidden_idx // 2) / hidden_size)
    enc = np.array(angle, dtype=np.float64)
    enc[:, 0::2] = np.sin(enc[:, 0::2])
    enc[:, 1::2] = np.cos(enc[:, 1::2])
    return jnp.asarray(enc, dtype=jnp.float32)


def setup_inputs(seed: int = 0) -> dict:
    key = jax.random.key(seed)
    k1, k2, k3, k4 = jax.random.split(key, 4)
    input_ids = jax.random.randint(k1, (B, S), 0, VOCAB)
    segment_ids = jax.random.randint(k2, (B, S), 0, SEG)
    # WordEmbedding: normal init with std = H**-0.5, padding_idx=0 row zeroed
    W_word = jax.random.normal(k3, (VOCAB, H), dtype=jnp.float32) * (H ** -0.5)
    W_word = W_word.at[0].set(0.0)
    W_seg = jax.random.normal(k4, (SEG, H), dtype=jnp.float32)
    gamma = jnp.ones((H,), dtype=jnp.float32)
    beta = jnp.zeros((H,), dtype=jnp.float32)
    pos_enc = get_sinusoid_encoding(POS, H)
    return {
        "input_ids": input_ids,
        "segment_ids": segment_ids,
        "W_word": W_word,
        "W_seg": W_seg,
        "gamma": gamma,
        "beta": beta,
        "pos_enc": pos_enc,
    }


def reference(input_ids, segment_ids, W_word, W_seg, gamma, beta, pos_enc):
    # position_ids = cumsum(ones) - 1, clamped to [0, POS-1]
    ones = jnp.ones_like(input_ids)
    position_ids = jnp.clip(jnp.cumsum(ones, axis=-1) - ones, 0, POS - 1)
    # word embedding lookup scaled by sqrt(H)
    word_emb = (H ** 0.5) * jnp.take(W_word, input_ids, axis=0)
    seg_emb = jnp.take(W_seg, segment_ids, axis=0)
    pos_emb = jnp.take(pos_enc, position_ids, axis=0)
    x = word_emb + seg_emb + pos_emb
    # LayerNorm over last dim, eps=1e-5
    mu = jnp.mean(x, axis=-1, keepdims=True)
    var = jnp.var(x, axis=-1, keepdims=True)
    x = (x - mu) / jnp.sqrt(var + 1e-5) * gamma + beta
    # dropout is identity in eval mode
    return x.astype(jnp.float32)

if __name__ == "__main__":
    import jax
    _d = setup_inputs()
    print(jax.jit(kernel)(*tuple(_d.values())))

</pallas_src>

<mosaic_0001>
#map = affine_map<(d0, d1) -> (0)>
#map1 = affine_map<(d0, d1) -> (0, 0)>
module attributes {stable_mosaic.version = 14 : i64} {
  func.func @_gather_kernel(%arg0: i32, %arg1: i32, %arg2: memref<16384xi32, #tpu.memory_space<hbm>>, %arg3: memref<100000x768xf32, #tpu.memory_space<hbm>>, %arg4: memref<16384x768xf32, #tpu.memory_space<hbm>>, %arg5: memref<512xi32, #tpu.memory_space<vmem>>, %arg6: memref<4x32x768xf32, #tpu.memory_space<vmem>>, %arg7: memref<!tpu.dma_semaphore, #tpu.memory_space<semaphore_mem>>, %arg8: memref<!tpu.dma_semaphore, #tpu.memory_space<semaphore_mem>>, %arg9: memref<!tpu.dma_semaphore, #tpu.memory_space<semaphore_mem>>, %arg10: memref<!tpu.dma_semaphore, #tpu.memory_space<semaphore_mem>>) attributes {dimension_semantics = [#tpu.dimension_semantics<core_parallel>, #tpu.dimension_semantics<subcore_parallel>], iteration_bounds = array<i64: 2, 16>, scalar_prefetch = 0 : i64, scratch_operands = 6 : i64, tpu.core_type = #tpu.core_type<sc_vector_subcore>, window_params = [{transform_indices = #map}, {transform_indices = #map1}, {transform_indices = #map1}]} {
    %mul3A = arith.constant 2 : i32
    %mul3A_0 = arith.muli %arg1, %mul3A : i32
    %add3A = arith.addi %mul3A_0, %arg0 : i32
    %mul3A_1 = arith.constant 512 : i32
    %mul3A_2 = arith.muli %add3A, %mul3A_1 : i32
    "tpu.region"() ({
      %run_scoped3A_368 = tpu.sem_alloc : memref<!tpu.dma_semaphore, #tpu.memory_space<semaphore_mem>>
      %dma_start3A_369 = tpu.memref_slice %arg2[%mul3A_2] : memref<16384xi32, #tpu.memory_space<hbm>> -> memref<512xi32, #tpu.memory_space<hbm>>
      %dma_start3A_370 = tpu.memref_slice %arg2[%mul3A_2] : memref<16384xi32, #tpu.memory_space<hbm>> -> memref<512xi32, #tpu.memory_space<hbm>>
      tpu.enqueue_dma source(%dma_start3A_370 : memref<512xi32, #tpu.memory_space<hbm>>) target(%arg5 : memref<512xi32, #tpu.memory_space<vmem>>) target_semaphore(%run_scoped3A_368 : memref<!tpu.dma_semaphore, #tpu.memory_space<semaphore_mem>>)
      %dma_wait3A_371 = tpu.memref_slice %arg2[%mul3A_2] : memref<16384xi32, #tpu.memory_space<hbm>> -> memref<512xi32, #tpu.memory_space<hbm>>
      %dma_wait3A_372 = tpu.memref_slice %arg2[%mul3A_2] : memref<16384xi32, #tpu.memory_space<hbm>> -> memref<512xi32, #tpu.memory_space<hbm>>
      tpu.wait_dma2 semaphore(%run_scoped3A_368 : memref<!tpu.dma_semaphore, #tpu.memory_space<semaphore_mem>>) src(%dma_wait3A_372 : memref<512xi32, #tpu.memory_space<hbm>>) dst(%arg5 : memref<512xi32, #tpu.memory_space<vmem>>)
      tpu.yield
    }) : () -> ()
    %dma_start3A = arith.constant 0 : i32
    %dma_start3A_3 = arith.constant 0 : i32
    %dma_start3A_4 = arith.constant 0 : i32
    %dma_start3A_5 = tpu.memref_slice %arg6[%dma_start3A, %dma_start3A_3, %dma_start3A_4] : memref<4x32x768xf32, #tpu.memory_space<vmem>> -> memref<1x32x768xf32, #tpu.memory_space<vmem>>
    %dma_start3A_6 = tpu.memref_squeeze %dma_start3A_5 : memref<1x32x768xf32, #tpu.memory_space<vmem>> -> memref<32x768xf32, #tpu.memory_space<vmem>>
    %dma_start3A_7 = arith.constant 0 : i32
    %dma_start3A_8 = tpu.memref_slice %arg5[%dma_start3A_7] : memref<512xi32, #tpu.memory_space<vmem>> -> memref<32xi32, #tpu.memory_space<vmem>>
    %dma_start3A_9 = arith.constant 0 : i32
    %dma_start3A_10 = arith.constant 0 : i32
    %dma_start3A_11 = tpu.memref_slice %arg3[%dma_start3A_9, %dma_start3A_10] : memref<100000x768xf32, #tpu.memory_space<hbm>> -> memref<100000x768xf32, #tpu.memory_space<hbm>>
    tpu.enqueue_indirect_dma source(%dma_start3A_11 : memref<100000x768xf32, #tpu.memory_space<hbm>>) target(%dma_start3A_6 : memref<32x768xf32, #tpu.memory_space<vmem>>) offsets(%dma_start3A_8 : memref<32xi32, #tpu.memory_space<vmem>>) semaphore(%arg7 : memref<!tpu.dma_semaphore, #tpu.memory_space<semaphore_mem>>)
    %dma_start3A_12 = arith.constant 1 : i32
    %dma_start3A_13 = arith.constant 0 : i32
    %dma_start3A_14 = arith.constant 0 : i32
    %dma_start3A_15 = tpu.memref_slice %arg6[%dma_start3A_12, %dma_start3A_13, %dma_start3A_14] : memref<4x32x768xf32, #tpu.memory_space<vmem>> -> memref<1x32x768xf32, #tpu.memory_space<vmem>>
    %dma_start3A_16 = tpu.memref_squeeze %dma_start3A_15 : memref<1x32x768xf32, #tpu.memory_space<vmem>> -> memref<32x768xf32, #tpu.memory_space<vmem>>
    %dma_start3A_17 = arith.constant 32 : i32
    %dma_start3A_18 = tpu.memref_slice %arg5[%dma_start3A_17] : memref<512xi32, #tpu.memory_space<vmem>> -> memref<32xi32, #tpu.memory_space<vmem>>
    %dma_start3A_19 = arith.constant 0 : i32
    %dma_start3A_20 = arith.constant 0 : i32
    %dma_start3A_21 = tpu.memref_slice %arg3[%dma_start3A_19, %dma_start3A_20] : memref<100000x768xf32, #tpu.memory_space<hbm>> -> memref<100000x768xf32, #tpu.memory_space<hbm>>
    tpu.enqueue_indirect_dma source(%dma_start3A_21 : memref<100000x768xf32, #tpu.memory_space<hbm>>) target(%dma_start3A_16 : memref<32x768xf32, #tpu.memory_space<vmem>>) offsets(%dma_start3A_18 : memref<32xi32, #tpu.memory_space<vmem>>) semaphore(%arg8 : memref<!tpu.dma_semaphore, #tpu.memory_space<semaphore_mem>>)
    %dma_start3A_22 = arith.constant 2 : i32
    %dma_start3A_23 = arith.constant 0 : i32
    %dma_start3A_24 = arith.constant 0 : i32
    %dma_start3A_25 = tpu.memref_slice %arg6[%dma_start3A_22, %dma_start3A_23, %dma_start3A_24] : memref<4x32x768xf32, #tpu.memory_space<vmem>> -> memref<1x32x768xf32, #tpu.memory_space<vmem>>
    %dma_start3A_26 = tpu.memref_squeeze %dma_start3A_25 : memref<1x32x768xf32, #tpu.memory_space<vmem>> -> memref<32x768xf32, #tpu.memory_space<vmem>>
    %dma_start3A_27 = arith.constant 64 : i32
    %dma_start3A_28 = tpu.memref_slice %arg5[%dma_start3A_27] : memref<512xi32, #tpu.memory_space<vmem>> -> memref<32xi32, #tpu.memory_space<vmem>>
    %dma_start3A_29 = arith.constant 0 : i32
    %dma_start3A_30 = arith.constant 0 : i32
    %dma_start3A_31 = tpu.memref_slice %arg3[%dma_start3A_29, %dma_start3A_30] : memref<100000x768xf32, #tpu.memory_space<hbm>> -> memref<100000x768xf32, #tpu.memory_space<hbm>>
    tpu.enqueue_indirect_dma source(%dma_start3A_31 : memref<100000x768xf32, #tpu.memory_space<hbm>>) target(%dma_start3A_26 : memref<32x768xf32, #tpu.memory_space<vmem>>) offsets(%dma_start3A_28 : memref<32xi32, #tpu.memory_space<vmem>>) semaphore(%arg9 : memref<!tpu.dma_semaphore, #tpu.memory_space<semaphore_mem>>)
    %dma_start3A_32 = arith.constant 3 : i32
    %dma_start3A_33 = arith.constant 0 : i32
    %dma_start3A_34 = arith.constant 0 : i32
    %dma_start3A_35 = tpu.memref_slice %arg6[%dma_start3A_32, %dma_start3A_33, %dma_start3A_34] : memref<4x32x768xf32, #tpu.memory_space<vmem>> -> memref<1x32x768xf32, #tpu.memory_space<vmem>>
    %dma_start3A_36 = tpu.memref_squeeze %dma_start3A_35 : memref<1x32x768xf32, #tpu.memory_space<vmem>> -> memref<32x768xf32, #tpu.memory_space<vmem>>
    %dma_start3A_37 = arith.constant 96 : i32
    %dma_start3A_38 = tpu.memref_slice %arg5[%dma_start3A_37] : memref<512xi32, #tpu.memory_space<vmem>> -> memref<32xi32, #tpu.memory_space<vmem>>
    %dma_start3A_39 = arith.constant 0 : i32
    %dma_start3A_40 = arith.constant 0 : i32
    %dma_start3A_41 = tpu.memref_slice %arg3[%dma_start3A_39, %dma_start3A_40] : memref<100000x768xf32, #tpu.memory_space<hbm>> -> memref<100000x768xf32, #tpu.memory_space<hbm>>
    tpu.enqueue_indirect_dma source(%dma_start3A_41 : memref<100000x768xf32, #tpu.memory_space<hbm>>) target(%dma_start3A_36 : memref<32x768xf32, #tpu.memory_space<vmem>>) offsets(%dma_start3A_38 : memref<32xi32, #tpu.memory_space<vmem>>) semaphore(%arg10 : memref<!tpu.dma_semaphore, #tpu.memory_space<semaphore_mem>>)
    %dma_wait3A = arith.constant 0 : i32
    %dma_wait3A_42 = arith.constant 0 : i32
    %dma_wait3A_43 = arith.constant 0 : i32
    %dma_wait3A_44 = tpu.memref_slice %arg6[%dma_wait3A, %dma_wait3A_42, %dma_wait3A_43] : memref<4x32x768xf32, #tpu.memory_space<vmem>> -> memref<1x32x768xf32, #tpu.memory_space<vmem>>
    %dma_wait3A_45 = tpu.memref_squeeze %dma_wait3A_44 : memref<1x32x768xf32, #tpu.memory_space<vmem>> -> memref<32x768xf32, #tpu.memory_space<vmem>>
    %dma_wait3A_46 = arith.constant 0 : i32
    %dma_wait3A_47 = tpu.memref_slice %arg5[%dma_wait3A_46] : memref<512xi32, #tpu.memory_space<vmem>> -> memref<32xi32, #tpu.memory_space<vmem>>
    %dma_wait3A_48 = arith.constant 0 : i32
    %dma_wait3A_49 = arith.constant 0 : i32
    %dma_wait3A_50 = tpu.memref_slice %arg3[%dma_wait3A_48, %dma_wait3A_49] : memref<100000x768xf32, #tpu.memory_space<hbm>> -> memref<100000x768xf32, #tpu.memory_space<hbm>>
    tpu.wait_indirect_dma semaphore(%arg7 : memref<!tpu.dma_semaphore, #tpu.memory_space<semaphore_mem>>) src(%dma_wait3A_50 : memref<100000x768xf32, #tpu.memory_space<hbm>>) dst(%dma_wait3A_45 : memref<32x768xf32, #tpu.memory_space<vmem>>)
    %add3A_51 = arith.constant 0 : i32
    %add3A_52 = arith.addi %mul3A_2, %add3A_51 : i32
    %run_scoped3A = arith.constant 0 : i32
    "tpu.region"() ({
      %run_scoped3A_368 = tpu.sem_alloc : memref<!tpu.dma_semaphore, #tpu.memory_space<semaphore_mem>>
      %dma_start3A_369 = arith.constant 0 : i32
      %dma_start3A_370 = arith.constant 0 : i32
      %dma_start3A_371 = tpu.memref_slice %arg6[%run_scoped3A, %dma_start3A_369, %dma_start3A_370] : memref<4x32x768xf32, #tpu.memory_space<vmem>> -> memref<1x32x768xf32, #tpu.memory_space<vmem>>
      %dma_start3A_372 = tpu.memref_squeeze %dma_start3A_371 : memref<1x32x768xf32, #tpu.memory_space<vmem>> -> memref<32x768xf32, #tpu.memory_space<vmem>>
      %dma_start3A_373 = arith.constant 0 : i32
      %dma_start3A_374 = tpu.memref_slice %arg4[%add3A_52, %dma_start3A_373] : memref<16384x768xf32, #tpu.memory_space<hbm>> -> memref<32x768xf32, #tpu.memory_space<hbm>>
      %dma_start3A_375 = arith.constant 0 : i32
      %dma_start3A_376 = tpu.memref_slice %arg4[%add3A_52, %dma_start3A_375] : memref<16384x768xf32, #tpu.memory_space<hbm>> -> memref<32x768xf32, #tpu.memory_space<hbm>>
      %dma_start3A_377 = arith.constant 0 : i32
      %dma_start3A_378 = arith.constant 0 : i32
      %dma_start3A_379 = tpu.memref_slice %arg6[%run_scoped3A, %dma_start3A_377, %dma_start3A_378] : memref<4x32x768xf32, #tpu.memory_space<vmem>> -> memref<1x32x768xf32, #tpu.memory_space<vmem>>
      %dma_start3A_380 = tpu.memref_squeeze %dma_start3A_379 : memref<1x32x768xf32, #tpu.memory_space<vmem>> -> memref<32x768xf32, #tpu.memory_space<vmem>>
      tpu.enqueue_dma source(%dma_start3A_380 : memref<32x768xf32, #tpu.memory_space<vmem>>) target(%dma_start3A_376 : memref<32x768xf32, #tpu.memory_space<hbm>>) target_semaphore(%run_scoped3A_368 : memref<!tpu.dma_semaphore, #tpu.memory_space<semaphore_mem>>)
      %dma_wait3A_381 = arith.constant 0 : i32
      %dma_wait3A_382 = arith.constant 0 : i32
      %dma_wait3A_383 = tpu.memref_slice %arg6[%run_scoped3A, %dma_wait3A_381, %dma_wait3A_382] : memref<4x32x768xf32, #tpu.memory_space<vmem>> -> memref<1x32x768xf32, #tpu.memory_space<vmem>>
      %dma_wait3A_384 = tpu.memref_squeeze %dma_wait3A_383 : memref<1x32x768xf32, #tpu.memory_space<vmem>> -> memref<32x768xf32, #tpu.memory_space<vmem>>
      %dma_wait3A_385 = arith.constant 0 : i32
      %dma_wait3A_386 = tpu.memref_slice %arg4[%add3A_52, %dma_wait3A_385] : memref<16384x768xf32, #tpu.memory_space<hbm>> -> memref<32x768xf32, #tpu.memory_space<hbm>>
      %dma_wait3A_387 = arith.constant 0 : i32
      %dma_wait3A_388 = tpu.memref_slice %arg4[%add3A_52, %dma_wait3A_387] : memref<16384x768xf32, #tpu.memory_space<hbm>> -> memref<32x768xf32, #tpu.memory_space<hbm>>
      %dma_wait3A_389 = arith.constant 0 : i32
      %dma_wait3A_390 = arith.constant 0 : i32
      %dma_wait3A_391 = tpu.memref_slice %arg6[%run_scoped3A, %dma_wait3A_389, %dma_wait3A_390] : memref<4x32x768xf32, #tpu.memory_space<vmem>> -> memref<1x32x768xf32, #tpu.memory_space<vmem>>
      %dma_wait3A_392 = tpu.memref_squeeze %dma_wait3A_391 : memref<1x32x768xf32, #tpu.memory_space<vmem>> -> memref<32x768xf32, #tpu.memory_space<vmem>>
      tpu.wait_dma2 semaphore(%run_scoped3A_368 : memref<!tpu.dma_semaphore, #tpu.memory_space<semaphore_mem>>) src(%dma_wait3A_392 : memref<32x768xf32, #tpu.memory_space<vmem>>) dst(%dma_wait3A_388 : memref<32x768xf32, #tpu.memory_space<hbm>>)
      tpu.yield
    }) : () -> ()
    %dma_start3A_53 = arith.constant 0 : i32
    %dma_start3A_54 = arith.constant 0 : i32
    %dma_start3A_55 = arith.constant 0 : i32
    %dma_start3A_56 = tpu.memref_slice %arg6[%dma_start3A_53, %dma_start3A_54, %dma_start3A_55] : memref<4x32x768xf32, #tpu.memory_space<vmem>> -> memref<1x32x768xf32, #tpu.memory_space<vmem>>
    %dma_start3A_57 = tpu.memref_squeeze %dma_start3A_56 : memref<1x32x768xf32, #tpu.memory_space<vmem>> -> memref<32x768xf32, #tpu.memory_space<vmem>>
    %dma_start3A_58 = arith.constant 128 : i32
    %dma_start3A_59 = tpu.memref_slice %arg5[%dma_start3A_58] : memref<512xi32, #tpu.memory_space<vmem>> -> memref<32xi32, #tpu.memory_space<vmem>>
    %dma_start3A_60 = arith.constant 0 : i32
    %dma_start3A_61 = arith.constant 0 : i32
    %dma_start3A_62 = tpu.memref_slice %arg3[%dma_start3A_60, %dma_start3A_61] : memref<100000x768xf32, #tpu.memory_space<hbm>> -> memref<100000x768xf32, #tpu.memory_space<hbm>>
    tpu.enqueue_indirect_dma source(%dma_start3A_62 : memref<100000x768xf32, #tpu.memory_space<hbm>>) target(%dma_start3A_57 : memref<32x768xf32, #tpu.memory_space<vmem>>) offsets(%dma_start3A_59 : memref<32xi32, #tpu.memory_space<vmem>>) semaphore(%arg7 : memref<!tpu.dma_semaphore, #tpu.memory_space<semaphore_mem>>)
    %dma_wait3A_63 = arith.constant 1 : i32
    %dma_wait3A_64 = arith.constant 0 : i32
    %dma_wait3A_65 = arith.constant 0 : i32
    %dma_wait3A_66 = tpu.memref_slice %arg6[%dma_wait3A_63, %dma_wait3A_64, %dma_wait3A_65] : memref<4x32x768xf32, #tpu.memory_space<vmem>> -> memref<1x32x768xf32, #tpu.memory_space<vmem>>
    %dma_wait3A_67 = tpu.memref_squeeze %dma_wait3A_66 : memref<1x32x768xf32, #tpu.memory_space<vmem>> -> memref<32x768xf32, #tpu.memory_space<vmem>>
    %dma_wait3A_68 = arith.constant 32 : i32
    %dma_wait3A_69 = tpu.memref_slice %arg5[%dma_wait3A_68] : memref<512xi32, #tpu.memory_space<vmem>> -> memref<32xi32, #tpu.memory_space<vmem>>
    %dma_wait3A_70 = arith.constant 0 : i32
    %dma_wait3A_71 = arith.constant 0 : i32
    %dma_wait3A_72 = tpu.memref_slice %arg3[%dma_wait3A_70, %dma_wait3A_71] : memref<100000x768xf32, #tpu.memory_space<hbm>> -> memref<100000x768xf32, #tpu.memory_space<hbm>>
    tpu.wait_indirect_dma semaphore(%arg8 : memref<!tpu.dma_semaphore, #tpu.memory_space<semaphore_mem>>) src(%dma_wait3A_72 : memref<100000x768xf32, #tpu.memory_space<hbm>>) dst(%dma_wait3A_67 : memref<32x768xf32, #tpu.memory_space<vmem>>)
    %add3A_73 = arith.constant 32 : i32
    %add3A_74 = arith.addi %mul3A_2, %add3A_73 : i32
    %run_scoped3A_75 = arith.constant 1 : i32
    "tpu.region"() ({
      %run_scoped3A_368 = tpu.sem_alloc : memref<!tpu.dma_semaphore, #tpu.memory_space<semaphore_mem>>
      %dma_start3A_369 = arith.constant 0 : i32
      %dma_start3A_370 = arith.constant 0 : i32
      %dma_start3A_371 = tpu.memref_slice %arg6[%run_scoped3A_75, %dma_start3A_369, %dma_start3A_370] : memref<4x32x768xf32, #tpu.memory_space<vmem>> -> memref<1x32x768xf32, #tpu.memory_space<vmem>>
      %dma_start3A_372 = tpu.memref_squeeze %dma_start3A_371 : memref<1x32x768xf32, #tpu.memory_space<vmem>> -> memref<32x768xf32, #tpu.memory_space<vmem>>
      %dma_start3A_373 = arith.constant 0 : i32
      %dma_start3A_374 = tpu.memref_slice %arg4[%add3A_74, %dma_start3A_373] : memref<16384x768xf32, #tpu.memory_space<hbm>> -> memref<32x768xf32, #tpu.memory_space<hbm>>
      %dma_start3A_375 = arith.constant 0 : i32
      %dma_start3A_376 = tpu.memref_slice %arg4[%add3A_74, %dma_start3A_375] : memref<16384x768xf32, #tpu.memory_space<hbm>> -> memref<32x768xf32, #tpu.memory_space<hbm>>
      %dma_start3A_377 = arith.constant 0 : i32
      %dma_start3A_378 = arith.constant 0 : i32
      %dma_start3A_379 = tpu.memref_slice %arg6[%run_scoped3A_75, %dma_start3A_377, %dma_start3A_378] : memref<4x32x768xf32, #tpu.memory_space<vmem>> -> memref<1x32x768xf32, #tpu.memory_space<vmem>>
      %dma_start3A_380 = tpu.memref_squeeze %dma_start3A_379 : memref<1x32x768xf32, #tpu.memory_space<vmem>> -> memref<32x768xf32, #tpu.memory_space<vmem>>
      tpu.enqueue_dma source(%dma_start3A_380 : memref<32x768xf32, #tpu.memory_space<vmem>>) target(%dma_start3A_376 : memref<32x768xf32, #tpu.memory_space<hbm>>) target_semaphore(%run_scoped3A_368 : memref<!tpu.dma_semaphore, #tpu.memory_space<semaphore_mem>>)
      %dma_wait3A_381 = arith.constant 0 : i32
      %dma_wait3A_382 = arith.constant 0 : i32
      %dma_wait3A_383 = tpu.memref_slice %arg6[%run_scoped3A_75, %dma_wait3A_381, %dma_wait3A_382] : memref<4x32x768xf32, #tpu.memory_space<vmem>> -> memref<1x32x768xf32, #tpu.memory_space<vmem>>
      %dma_wait3A_384 = tpu.memref_squeeze %dma_wait3A_383 : memref<1x32x768xf32, #tpu.memory_space<vmem>> -> memref<32x768xf32, #tpu.memory_space<vmem>>
      %dma_wait3A_385 = arith.constant 0 : i32
      %dma_wait3A_386 = tpu.memref_slice %arg4[%add3A_74, %dma_wait3A_385] : memref<16384x768xf32, #tpu.memory_space<hbm>> -> memref<32x768xf32, #tpu.memory_space<hbm>>
      %dma_wait3A_387 = arith.constant 0 : i32
      %dma_wait3A_388 = tpu.memref_slice %arg4[%add3A_74, %dma_wait3A_387] : memref<16384x768xf32, #tpu.memory_space<hbm>> -> memref<32x768xf32, #tpu.memory_space<hbm>>
      %dma_wait3A_389 = arith.constant 0 : i32
      %dma_wait3A_390 = arith.constant 0 : i32
      %dma_wait3A_391 = tpu.memref_slice %arg6[%run_scoped3A_75, %dma_wait3A_389, %dma_wait3A_390] : memref<4x32x768xf32, #tpu.memory_space<vmem>> -> memref<1x32x768xf32, #tpu.memory_space<vmem>>
      %dma_wait3A_392 = tpu.memref_squeeze %dma_wait3A_391 : memref<1x32x768xf32, #tpu.memory_space<vmem>> -> memref<32x768xf32, #tpu.memory_space<vmem>>
      tpu.wait_dma2 semaphore(%run_scoped3A_368 : memref<!tpu.dma_semaphore, #tpu.memory_space<semaphore_mem>>) src(%dma_wait3A_392 : memref<32x768xf32, #tpu.memory_space<vmem>>) dst(%dma_wait3A_388 : memref<32x768xf32, #tpu.memory_space<hbm>>)
      tpu.yield
    }) : () -> ()
    %dma_start3A_76 = arith.constant 1 : i32
    %dma_start3A_77 = arith.constant 0 : i32
    %dma_start3A_78 = arith.constant 0 : i32
    %dma_start3A_79 = tpu.memref_slice %arg6[%dma_start3A_76, %dma_start3A_77, %dma_start3A_78] : memref<4x32x768xf32, #tpu.memory_space<vmem>> -> memref<1x32x768xf32, #tpu.memory_space<vmem>>
    %dma_start3A_80 = tpu.memref_squeeze %dma_start3A_79 : memref<1x32x768xf32, #tpu.memory_space<vmem>> -> memref<32x768xf32, #tpu.memory_space<vmem>>
    %dma_start3A_81 = arith.constant 160 : i32
    %dma_start3A_82 = tpu.memref_slice %arg5[%dma_start3A_81] : memref<512xi32, #tpu.memory_space<vmem>> -> memref<32xi32, #tpu.memory_space<vmem>>
    %dma_start3A_83 = arith.constant 0 : i32
    %dma_start3A_84 = arith.constant 0 : i32
    %dma_start3A_85 = tpu.memref_slice %arg3[%dma_start3A_83, %dma_start3A_84] : memref<100000x768xf32, #tpu.memory_space<hbm>> -> memref<100000x768xf32, #tpu.memory_space<hbm>>
    tpu.enqueue_indirect_dma source(%dma_start3A_85 : memref<100000x768xf32, #tpu.memory_space<hbm>>) target(%dma_start3A_80 : memref<32x768xf32, #tpu.memory_space<vmem>>) offsets(%dma_start3A_82 : memref<32xi32, #tpu.memory_space<vmem>>) semaphore(%arg8 : memref<!tpu.dma_semaphore, #tpu.memory_space<semaphore_mem>>)
    %dma_wait3A_86 = arith.constant 2 : i32
    %dma_wait3A_87 = arith.constant 0 : i32
    %dma_wait3A_88 = arith.constant 0 : i32
    %dma_wait3A_89 = tpu.memref_slice %arg6[%dma_wait3A_86, %dma_wait3A_87, %dma_wait3A_88] : memref<4x32x768xf32, #tpu.memory_space<vmem>> -> memref<1x32x768xf32, #tpu.memory_space<vmem>>
    %dma_wait3A_90 = tpu.memref_squeeze %dma_wait3A_89 : memref<1x32x768xf32, #tpu.memory_space<vmem>> -> memref<32x768xf32, #tpu.memory_space<vmem>>
    %dma_wait3A_91 = arith.constant 64 : i32
    %dma_wait3A_92 = tpu.memref_slice %arg5[%dma_wait3A_91] : memref<512xi32, #tpu.memory_space<vmem>> -> memref<32xi32, #tpu.memory_space<vmem>>
    %dma_wait3A_93 = arith.constant 0 : i32
    %dma_wait3A_94 = arith.constant 0 : i32
    %dma_wait3A_95 = tpu.memref_slice %arg3[%dma_wait3A_93, %dma_wait3A_94] : memref<100000x768xf32, #tpu.memory_space<hbm>> -> memref<100000x768xf32, #tpu.memory_space<hbm>>
    tpu.wait_indirect_dma semaphore(%arg9 : memref<!tpu.dma_semaphore, #tpu.memory_space<semaphore_mem>>) src(%dma_wait3A_95 : memref<100000x768xf32, #tpu.memory_space<hbm>>) dst(%dma_wait3A_90 : memref<32x768xf32, #tpu.memory_space<vmem>>)
    %add3A_96 = arith.constant 64 : i32
    %add3A_97 = arith.addi %mul3A_2, %add3A_96 : i32
    %run_scoped3A_98 = arith.constant 2 : i32
    "tpu.region"() ({
      %run_scoped3A_368 = tpu.sem_alloc : memref<!tpu.dma_semaphore, #tpu.memory_space<semaphore_mem>>
      %dma_start3A_369 = arith.constant 0 : i32
      %dma_start3A_370 = arith.constant 0 : i32
      %dma_start3A_371 = tpu.memref_slice %arg6[%run_scoped3A_98, %dma_start3A_369, %dma_start3A_370] : memref<4x32x768xf32, #tpu.memory_space<vmem>> -> memref<1x32x768xf32, #tpu.memory_space<vmem>>
      %dma_start3A_372 = tpu.memref_squeeze %dma_start3A_371 : memref<1x32x768xf32, #tpu.memory_space<vmem>> -> memref<32x768xf32, #tpu.memory_space<vmem>>
      %dma_start3A_373 = arith.constant 0 : i32
      %dma_start3A_374 = tpu.memref_slice %arg4[%add3A_97, %dma_start3A_373] : memref<16384x768xf32, #tpu.memory_space<hbm>> -> memref<32x768xf32, #tpu.memory_space<hbm>>
      %dma_start3A_375 = arith.constant 0 : i32
      %dma_start3A_376 = tpu.memref_slice %arg4[%add3A_97, %dma_start3A_375] : memref<16384x768xf32, #tpu.memory_space<hbm>> -> memref<32x768xf32, #tpu.memory_space<hbm>>
      %dma_start3A_377 = arith.constant 0 : i32
      %dma_start3A_378 = arith.constant 0 : i32
      %dma_start3A_379 = tpu.memref_slice %arg6[%run_scoped3A_98, %dma_start3A_377, %dma_start3A_378] : memref<4x32x768xf32, #tpu.memory_space<vmem>> -> memref<1x32x768xf32, #tpu.memory_space<vmem>>
      %dma_start3A_380 = tpu.memref_squeeze %dma_start3A_379 : memref<1x32x768xf32, #tpu.memory_space<vmem>> -> memref<32x768xf32, #tpu.memory_space<vmem>>
      tpu.enqueue_dma source(%dma_start3A_380 : memref<32x768xf32, #tpu.memory_space<vmem>>) target(%dma_start3A_376 : memref<32x768xf32, #tpu.memory_space<hbm>>) target_semaphore(%run_scoped3A_368 : memref<!tpu.dma_semaphore, #tpu.memory_space<semaphore_mem>>)
      %dma_wait3A_381 = arith.constant 0 : i32
      %dma_wait3A_382 = arith.constant 0 : i32
      %dma_wait3A_383 = tpu.memref_slice %arg6[%run_scoped3A_98, %dma_wait3A_381, %dma_wait3A_382] : memref<4x32x768xf32, #tpu.memory_space<vmem>> -> memref<1x32x768xf32, #tpu.memory_space<vmem>>
      %dma_wait3A_384 = tpu.memref_squeeze %dma_wait3A_383 : memref<1x32x768xf32, #tpu.memory_space<vmem>> -> memref<32x768xf32, #tpu.memory_space<vmem>>
      %dma_wait3A_385 = arith.constant 0 : i32
      %dma_wait3A_386 = tpu.memref_slice %arg4[%add3A_97, %dma_wait3A_385] : memref<16384x768xf32, #tpu.memory_space<hbm>> -> memref<32x768xf32, #tpu.memory_space<hbm>>
      %dma_wait3A_387 = arith.constant 0 : i32
      %dma_wait3A_388 = tpu.memref_slice %arg4[%add3A_97, %dma_wait3A_387] : memref<16384x768xf32, #tpu.memory_space<hbm>> -> memref<32x768xf32, #tpu.memory_space<hbm>>
      %dma_wait3A_389 = arith.constant 0 : i32
      %dma_wait3A_390 = arith.constant 0 : i32
      %dma_wait3A_391 = tpu.memref_slice %arg6[%run_scoped3A_98, %dma_wait3A_389, %dma_wait3A_390] : memref<4x32x768xf32, #tpu.memory_space<vmem>> -> memref<1x32x768xf32, #tpu.memory_space<vmem>>
      %dma_wait3A_392 = tpu.memref_squeeze %dma_wait3A_391 : memref<1x32x768xf32, #tpu.memory_space<vmem>> -> memref<32x768xf32, #tpu.memory_space<vmem>>
      tpu.wait_dma2 semaphore(%run_scoped3A_368 : memref<!tpu.dma_semaphore, #tpu.memory_space<semaphore_mem>>) src(%dma_wait3A_392 : memref<32x768xf32, #tpu.memory_space<vmem>>) dst(%dma_wait3A_388 : memref<32x768xf32, #tpu.memory_space<hbm>>)
      tpu.yield
    }) : () -> ()
    %dma_start3A_99 = arith.constant 2 : i32
    %dma_start3A_100 = arith.constant 0 : i32
    %dma_start3A_101 = arith.constant 0 : i32
    %dma_start3A_102 = tpu.memref_slice %arg6[%dma_start3A_99, %dma_start3A_100, %dma_start3A_101] : memref<4x32x768xf32, #tpu.memory_space<vmem>> -> memref<1x32x768xf32, #tpu.memory_space<vmem>>
    %dma_start3A_103 = tpu.memref_squeeze %dma_start3A_102 : memref<1x32x768xf32, #tpu.memory_space<vmem>> -> memref<32x768xf32, #tpu.memory_space<vmem>>
    %dma_start3A_104 = arith.constant 192 : i32
    %dma_start3A_105 = tpu.memref_slice %arg5[%dma_start3A_104] : memref<512xi32, #tpu.memory_space<vmem>> -> memref<32xi32, #tpu.memory_space<vmem>>
    %dma_start3A_106 = arith.constant 0 : i32
    %dma_start3A_107 = arith.constant 0 : i32
    %dma_start3A_108 = tpu.memref_slice %arg3[%dma_start3A_106, %dma_start3A_107] : memref<100000x768xf32, #tpu.memory_space<hbm>> -> memref<100000x768xf32, #tpu.memory_space<hbm>>
    tpu.enqueue_indirect_dma source(%dma_start3A_108 : memref<100000x768xf32, #tpu.memory_space<hbm>>) target(%dma_start3A_103 : memref<32x768xf32, #tpu.memory_space<vmem>>) offsets(%dma_start3A_105 : memref<32xi32, #tpu.memory_space<vmem>>) semaphore(%arg9 : memref<!tpu.dma_semaphore, #tpu.memory_space<semaphore_mem>>)
    %dma_wait3A_109 = arith.constant 3 : i32
    %dma_wait3A_110 = arith.constant 0 : i32
    %dma_wait3A_111 = arith.constant 0 : i32
    %dma_wait3A_112 = tpu.memref_slice %arg6[%dma_wait3A_109, %dma_wait3A_110, %dma_wait3A_111] : memref<4x32x768xf32, #tpu.memory_space<vmem>> -> memref<1x32x768xf32, #tpu.memory_space<vmem>>
    %dma_wait3A_113 = tpu.memref_squeeze %dma_wait3A_112 : memref<1x32x768xf32, #tpu.memory_space<vmem>> -> memref<32x768xf32, #tpu.memory_space<vmem>>
    %dma_wait3A_114 = arith.constant 96 : i32
    %dma_wait3A_115 = tpu.memref_slice %arg5[%dma_wait3A_114] : memref<512xi32, #tpu.memory_space<vmem>> -> memref<32xi32, #tpu.memory_space<vmem>>
    %dma_wait3A_116 = arith.constant 0 : i32
    %dma_wait3A_117 = arith.constant 0 : i32
    %dma_wait3A_118 = tpu.memref_slice %arg3[%dma_wait3A_116, %dma_wait3A_117] : memref<100000x768xf32, #tpu.memory_space<hbm>> -> memref<100000x768xf32, #tpu.memory_space<hbm>>
    tpu.wait_indirect_dma semaphore(%arg10 : memref<!tpu.dma_semaphore, #tpu.memory_space<semaphore_mem>>) src(%dma_wait3A_118 : memref<100000x768xf32, #tpu.memory_space<hbm>>) dst(%dma_wait3A_113 : memref<32x768xf32, #tpu.memory_space<vmem>>)
    %add3A_119 = arith.constant 96 : i32
    %add3A_120 = arith.addi %mul3A_2, %add3A_119 : i32
    %run_scoped3A_121 = arith.constant 3 : i32
    "tpu.region"() ({
      %run_scoped3A_368 = tpu.sem_alloc : memref<!tpu.dma_semaphore, #tpu.memory_space<semaphore_mem>>
      %dma_start3A_369 = arith.constant 0 : i32
      %dma_start3A_370 = arith.constant 0 : i32
      %dma_start3A_371 = tpu.memref_slice %arg6[%run_scoped3A_121, %dma_start3A_369, %dma_start3A_370] : memref<4x32x768xf32, #tpu.memory_space<vmem>> -> memref<1x32x768xf32, #tpu.memory_space<vmem>>
      %dma_start3A_372 = tpu.memref_squeeze %dma_start3A_371 : memref<1x32x768xf32, #tpu.memory_space<vmem>> -> memref<32x768xf32, #tpu.memory_space<vmem>>
      %dma_start3A_373 = arith.constant 0 : i32
      %dma_start3A_374 = tpu.memref_slice %arg4[%add3A_120, %dma_start3A_373] : memref<16384x768xf32, #tpu.memory_space<hbm>> -> memref<32x768xf32, #tpu.memory_space<hbm>>
      %dma_start3A_375 = arith.constant 0 : i32
      %dma_start3A_376 = tpu.memref_slice %arg4[%add3A_120, %dma_start3A_375] : memref<16384x768xf32, #tpu.memory_space<hbm>> -> memref<32x768xf32, #tpu.memory_space<hbm>>
      %dma_start3A_377 = arith.constant 0 : i32
      %dma_start3A_378 = arith.constant 0 : i32
      %dma_start3A_379 = tpu.memref_slice %arg6[%run_scoped3A_121, %dma_start3A_377, %dma_start3A_378] : memref<4x32x768xf32, #tpu.memory_space<vmem>> -> memref<1x32x768xf32, #tpu.memory_space<vmem>>
      %dma_start3A_380 = tpu.memref_squeeze %dma_start3A_379 : memref<1x32x768xf32, #tpu.memory_space<vmem>> -> memref<32x768xf32, #tpu.memory_space<vmem>>
      tpu.enqueue_dma source(%dma_start3A_380 : memref<32x768xf32, #tpu.memory_space<vmem>>) target(%dma_start3A_376 : memref<32x768xf32, #tpu.memory_space<hbm>>) target_semaphore(%run_scoped3A_368 : memref<!tpu.dma_semaphore, #tpu.memory_space<semaphore_mem>>)
      %dma_wait3A_381 = arith.constant 0 : i32
      %dma_wait3A_382 = arith.constant 0 : i32
      %dma_wait3A_383 = tpu.memref_slice %arg6[%run_scoped3A_121, %dma_wait3A_381, %dma_wait3A_382] : memref<4x32x768xf32, #tpu.memory_space<vmem>> -> memref<1x32x768xf32, #tpu.memory_space<vmem>>
      %dma_wait3A_384 = tpu.memref_squeeze %dma_wait3A_383 : memref<1x32x768xf32, #tpu.memory_space<vmem>> -> memref<32x768xf32, #tpu.memory_space<vmem>>
      %dma_wait3A_385 = arith.constant 0 : i32
      %dma_wait3A_386 = tpu.memref_slice %arg4[%add3A_120, %dma_wait3A_385] : memref<16384x768xf32, #tpu.memory_space<hbm>> -> memref<32x768xf32, #tpu.memory_space<hbm>>
      %dma_wait3A_387 = arith.constant 0 : i32
      %dma_wait3A_388 = tpu.memref_slice %arg4[%add3A_120, %dma_wait3A_387] : memref<16384x768xf32, #tpu.memory_space<hbm>> -> memref<32x768xf32, #tpu.memory_space<hbm>>
      %dma_wait3A_389 = arith.constant 0 : i32
      %dma_wait3A_390 = arith.constant 0 : i32
      %dma_wait3A_391 = tpu.memref_slice %arg6[%run_scoped3A_121, %dma_wait3A_389, %dma_wait3A_390] : memref<4x32x768xf32, #tpu.memory_space<vmem>> -> memref<1x32x768xf32, #tpu.memory_space<vmem>>
      %dma_wait3A_392 = tpu.memref_squeeze %dma_wait3A_391 : memref<1x32x768xf32, #tpu.memory_space<vmem>> -> memref<32x768xf32, #tpu.memory_space<vmem>>
      tpu.wait_dma2 semaphore(%run_scoped3A_368 : memref<!tpu.dma_semaphore, #tpu.memory_space<semaphore_mem>>) src(%dma_wait3A_392 : memref<32x768xf32, #tpu.memory_space<vmem>>) dst(%dma_wait3A_388 : memref<32x768xf32, #tpu.memory_space<hbm>>)
      tpu.yield
    }) : () -> ()
    %dma_start3A_122 = arith.constant 3 : i32
    %dma_start3A_123 = arith.constant 0 : i32
    %dma_start3A_124 = arith.constant 0 : i32
    %dma_start3A_125 = tpu.memref_slice %arg6[%dma_start3A_122, %dma_start3A_123, %dma_start3A_124] : memref<4x32x768xf32, #tpu.memory_space<vmem>> -> memref<1x32x768xf32, #tpu.memory_space<vmem>>
    %dma_start3A_126 = tpu.memref_squeeze %dma_start3A_125 : memref<1x32x768xf32, #tpu.memory_space<vmem>> -> memref<32x768xf32, #tpu.memory_space<vmem>>
    %dma_start3A_127 = arith.constant 224 : i32
    %dma_start3A_128 = tpu.memref_slice %arg5[%dma_start3A_127] : memref<512xi32, #tpu.memory_space<vmem>> -> memref<32xi32, #tpu.memory_space<vmem>>
    %dma_start3A_129 = arith.constant 0 : i32
    %dma_start3A_130 = arith.constant 0 : i32
    %dma_start3A_131 = tpu.memref_slice %arg3[%dma_start3A_129, %dma_start3A_130] : memref<100000x768xf32, #tpu.memory_space<hbm>> -> memref<100000x768xf32, #tpu.memory_space<hbm>>
    tpu.enqueue_indirect_dma source(%dma_start3A_131 : memref<100000x768xf32, #tpu.memory_space<hbm>>) target(%dma_start3A_126 : memref<32x768xf32, #tpu.memory_space<vmem>>) offsets(%dma_start3A_128 : memref<32xi32, #tpu.memory_space<vmem>>) semaphore(%arg10 : memref<!tpu.dma_semaphore, #tpu.memory_space<semaphore_mem>>)
    %dma_wait3A_132 = arith.constant 0 : i32
    %dma_wait3A_133 = arith.constant 0 : i32
    %dma_wait3A_134 = arith.constant 0 : i32
    %dma_wait3A_135 = tpu.memref_slice %arg6[%dma_wait3A_132, %dma_wait3A_133, %dma_wait3A_134] : memref<4x32x768xf32, #tpu.memory_space<vmem>> -> memref<1x32x768xf32, #tpu.memory_space<vmem>>
    %dma_wait3A_136 = tpu.memref_squeeze %dma_wait3A_135 : memref<1x32x768xf32, #tpu.memory_space<vmem>> -> memref<32x768xf32, #tpu.memory_space<vmem>>
    %dma_wait3A_137 = arith.constant 128 : i32
    %dma_wait3A_138 = tpu.memref_slice %arg5[%dma_wait3A_137] : memref<512xi32, #tpu.memory_space<vmem>> -> memref<32xi32, #tpu.memory_space<vmem>>
    %dma_wait3A_139 = arith.constant 0 : i32
    %dma_wait3A_140 = arith.constant 0 : i32
    %dma_wait3A_141 = tpu.memref_slice %arg3[%dma_wait3A_139, %dma_wait3A_140] : memref<100000x768xf32, #tpu.memory_space<hbm>> -> memref<100000x768xf32, #tpu.memory_space<hbm>>
    tpu.wait_indirect_dma semaphore(%arg7 : memref<!tpu.dma_semaphore, #tpu.memory_space<semaphore_mem>>) src(%dma_wait3A_141 : memref<100000x768xf32, #tpu.memory_space<hbm>>) dst(%dma_wait3A_136 : memref<32x768xf32, #tpu.memory_space<vmem>>)
    %add3A_142 = arith.constant 128 : i32
    %add3A_143 = arith.addi %mul3A_2, %add3A_142 : i32
    %run_scoped3A_144 = arith.constant 0 : i32
    "tpu.region"() ({
      %run_scoped3A_368 = tpu.sem_alloc : memref<!tpu.dma_semaphore, #tpu.memory_space<semaphore_mem>>
      %dma_start3A_369 = arith.constant 0 : i32
      %dma_start3A_370 = arith.constant 0 : i32
      %dma_start3A_371 = tpu.memref_slice %arg6[%run_scoped3A_144, %dma_start3A_369, %dma_start3A_370] : memref<4x32x768xf32, #tpu.memory_space<vmem>> -> memref<1x32x768xf32, #tpu.memory_space<vmem>>
      %dma_start3A_372 = tpu.memref_squeeze %dma_start3A_371 : memref<1x32x768xf32, #tpu.memory_space<vmem>> -> memref<32x768xf32, #tpu.memory_space<vmem>>
      %dma_start3A_373 = arith.constant 0 : i32
      %dma_start3A_374 = tpu.memref_slice %arg4[%add3A_143, %dma_start3A_373] : memref<16384x768xf32, #tpu.memory_space<hbm>> -> memref<32x768xf32, #tpu.memory_space<hbm>>
      %dma_start3A_375 = arith.constant 0 : i32
      %dma_start3A_376 = tpu.memref_slice %arg4[%add3A_143, %dma_start3A_375] : memref<16384x768xf32, #tpu.memory_space<hbm>> -> memref<32x768xf32, #tpu.memory_space<hbm>>
      %dma_start3A_377 = arith.constant 0 : i32
      %dma_start3A_378 = arith.constant 0 : i32
      %dma_start3A_379 = tpu.memref_slice %arg6[%run_scoped3A_144, %dma_start3A_377, %dma_start3A_378] : memref<4x32x768xf32, #tpu.memory_space<vmem>> -> memref<1x32x768xf32, #tpu.memory_space<vmem>>
      %dma_start3A_380 = tpu.memref_squeeze %dma_start3A_379 : memref<1x32x768xf32, #tpu.memory_space<vmem>> -> memref<32x768xf32, #tpu.memory_space<vmem>>
      tpu.enqueue_dma source(%dma_start3A_380 : memref<32x768xf32, #tpu.memory_space<vmem>>) target(%dma_start3A_376 : memref<32x768xf32, #tpu.memory_space<hbm>>) target_semaphore(%run_scoped3A_368 : memref<!tpu.dma_semaphore, #tpu.memory_space<semaphore_mem>>)
      %dma_wait3A_381 = arith.constant 0 : i32
      %dma_wait3A_382 = arith.constant 0 : i32
      %dma_wait3A_383 = tpu.memref_slice %arg6[%run_scoped3A_144, %dma_wait3A_381, %dma_wait3A_382] : memref<4x32x768xf32, #tpu.memory_space<vmem>> -> memref<1x32x768xf32, #tpu.memory_space<vmem>>
      %dma_wait3A_384 = tpu.memref_squeeze %dma_wait3A_383 : memref<1x32x768xf32, #tpu.memory_space<vmem>> -> memref<32x768xf32, #tpu.memory_space<vmem>>
      %dma_wait3A_385 = arith.constant 0 : i32
      %dma_wait3A_386 = tpu.memref_slice %arg4[%add3A_143, %dma_wait3A_385] : memref<16384x768xf32, #tpu.memory_space<hbm>> -> memref<32x768xf32, #tpu.memory_space<hbm>>
      %dma_wait3A_387 = arith.constant 0 : i32
      %dma_wait3A_388 = tpu.memref_slice %arg4[%add3A_143, %dma_wait3A_387] : memref<16384x768xf32, #tpu.memory_space<hbm>> -> memref<32x768xf32, #tpu.memory_space<hbm>>
      %dma_wait3A_389 = arith.constant 0 : i32
      %dma_wait3A_390 = arith.constant 0 : i32
      %dma_wait3A_391 = tpu.memref_slice %arg6[%run_scoped3A_144, %dma_wait3A_389, %dma_wait3A_390] : memref<4x32x768xf32, #tpu.memory_space<vmem>> -> memref<1x32x768xf32, #tpu.memory_space<vmem>>
      %dma_wait3A_392 = tpu.memref_squeeze %dma_wait3A_391 : memref<1x32x768xf32, #tpu.memory_space<vmem>> -> memref<32x768xf32, #tpu.memory_space<vmem>>
      tpu.wait_dma2 semaphore(%run_scoped3A_368 : memref<!tpu.dma_semaphore, #tpu.memory_space<semaphore_mem>>) src(%dma_wait3A_392 : memref<32x768xf32, #tpu.memory_space<vmem>>) dst(%dma_wait3A_388 : memref<32x768xf32, #tpu.memory_space<hbm>>)
      tpu.yield
    }) : () -> ()
    %dma_start3A_145 = arith.constant 0 : i32
    %dma_start3A_146 = arith.constant 0 : i32
    %dma_start3A_147 = arith.constant 0 : i32
    %dma_start3A_148 = tpu.memref_slice %arg6[%dma_start3A_145, %dma_start3A_146, %dma_start3A_147] : memref<4x32x768xf32, #tpu.memory_space<vmem>> -> memref<1x32x768xf32, #tpu.memory_space<vmem>>
    %dma_start3A_149 = tpu.memref_squeeze %dma_start3A_148 : memref<1x32x768xf32, #tpu.memory_space<vmem>> -> memref<32x768xf32, #tpu.memory_space<vmem>>
    %dma_start3A_150 = arith.constant 256 : i32
    %dma_start3A_151 = tpu.memref_slice %arg5[%dma_start3A_150] : memref<512xi32, #tpu.memory_space<vmem>> -> memref<32xi32, #tpu.memory_space<vmem>>
    %dma_start3A_152 = arith.constant 0 : i32
    %dma_start3A_153 = arith.constant 0 : i32
    %dma_start3A_154 = tpu.memref_slice %arg3[%dma_start3A_152, %dma_start3A_153] : memref<100000x768xf32, #tpu.memory_space<hbm>> -> memref<100000x768xf32, #tpu.memory_space<hbm>>
    tpu.enqueue_indirect_dma source(%dma_start3A_154 : memref<100000x768xf32, #tpu.memory_space<hbm>>) target(%dma_start3A_149 : memref<32x768xf32, #tpu.memory_space<vmem>>) offsets(%dma_start3A_151 : memref<32xi32, #tpu.memory_space<vmem>>) semaphore(%arg7 : memref<!tpu.dma_semaphore, #tpu.memory_space<semaphore_mem>>)
    %dma_wait3A_155 = arith.constant 1 : i32
    %dma_wait3A_156 = arith.constant 0 : i32
    %dma_wait3A_157 = arith.constant 0 : i32
    %dma_wait3A_158 = tpu.memref_slice %arg6[%dma_wait3A_155, %dma_wait3A_156, %dma_wait3A_157] : memref<4x32x768xf32, #tpu.memory_space<vmem>> -> memref<1x32x768xf32, #tpu.memory_space<vmem>>
    %dma_wait3A_159 = tpu.memref_squeeze %dma_wait3A_158 : memref<1x32x768xf32, #tpu.memory_space<vmem>> -> memref<32x768xf32, #tpu.memory_space<vmem>>
    %dma_wait3A_160 = arith.constant 160 : i32
    %dma_wait3A_161 = tpu.memref_slice %arg5[%dma_wait3A_160] : memref<512xi32, #tpu.memory_space<vmem>> -> memref<32xi32, #tpu.memory_space<vmem>>
    %dma_wait3A_162 = arith.constant 0 : i32
    %dma_wait3A_163 = arith.constant 0 : i32
    %dma_wait3A_164 = tpu.memref_slice %arg3[%dma_wait3A_162, %dma_wait3A_163] : memref<100000x768xf32, #tpu.memory_space<hbm>> -> memref<100000x768xf32, #tpu.memory_space<hbm>>
    tpu.wait_indirect_dma semaphore(%arg8 : memref<!tpu.dma_semaphore, #tpu.memory_space<semaphore_mem>>) src(%dma_wait3A_164 : memref<100000x768xf32, #tpu.memory_space<hbm>>) dst(%dma_wait3A_159 : memref<32x768xf32, #tpu.memory_space<vmem>>)
    %add3A_165 = arith.constant 160 : i32
    %add3A_166 = arith.addi %mul3A_2, %add3A_165 : i32
    %run_scoped3A_167 = arith.constant 1 : i32
    "tpu.region"() ({
      %run_scoped3A_368 = tpu.sem_alloc : memref<!tpu.dma_semaphore, #tpu.memory_space<semaphore_mem>>
      %dma_start3A_369 = arith.constant 0 : i32
      %dma_start3A_370 = arith.constant 0 : i32
      %dma_start3A_371 = tpu.memref_slice %arg6[%run_scoped3A_167, %dma_start3A_369, %dma_start3A_370] : memref<4x32x768xf32, #tpu.memory_space<vmem>> -> memref<1x32x768xf32, #tpu.memory_space<vmem>>
      %dma_start3A_372 = tpu.memref_squeeze %dma_start3A_371 : memref<1x32x768xf32, #tpu.memory_space<vmem>> -> memref<32x768xf32, #tpu.memory_space<vmem>>
      %dma_start3A_373 = arith.constant 0 : i32
      %dma_start3A_374 = tpu.memref_slice %arg4[%add3A_166, %dma_start3A_373] : memref<16384x768xf32, #tpu.memory_space<hbm>> -> memref<32x768xf32, #tpu.memory_space<hbm>>
      %dma_start3A_375 = arith.constant 0 : i32
      %dma_start3A_376 = tpu.memref_slice %arg4[%add3A_166, %dma_start3A_375] : memref<16384x768xf32, #tpu.memory_space<hbm>> -> memref<32x768xf32, #tpu.memory_space<hbm>>
      %dma_start3A_377 = arith.constant 0 : i32
      %dma_start3A_378 = arith.constant 0 : i32
      %dma_start3A_379 = tpu.memref_slice %arg6[%run_scoped3A_167, %dma_start3A_377, %dma_start3A_378] : memref<4x32x768xf32, #tpu.memory_space<vmem>> -> memref<1x32x768xf32, #tpu.memory_space<vmem>>
      %dma_start3A_380 = tpu.memref_squeeze %dma_start3A_379 : memref<1x32x768xf32, #tpu.memory_space<vmem>> -> memref<32x768xf32, #tpu.memory_space<vmem>>
      tpu.enqueue_dma source(%dma_start3A_380 : memref<32x768xf32, #tpu.memory_space<vmem>>) target(%dma_start3A_376 : memref<32x768xf32, #tpu.memory_space<hbm>>) target_semaphore(%run_scoped3A_368 : memref<!tpu.dma_semaphore, #tpu.memory_space<semaphore_mem>>)
      %dma_wait3A_381 = arith.constant 0 : i32
      %dma_wait3A_382 = arith.constant 0 : i32
      %dma_wait3A_383 = tpu.memref_slice %arg6[%run_scoped3A_167, %dma_wait3A_381, %dma_wait3A_382] : memref<4x32x768xf32, #tpu.memory_space<vmem>> -> memref<1x32x768xf32, #tpu.memory_space<vmem>>
      %dma_wait3A_384 = tpu.memref_squeeze %dma_wait3A_383 : memref<1x32x768xf32, #tpu.memory_space<vmem>> -> memref<32x768xf32, #tpu.memory_space<vmem>>
      %dma_wait3A_385 = arith.constant 0 : i32
      %dma_wait3A_386 = tpu.memref_slice %arg4[%add3A_166, %dma_wait3A_385] : memref<16384x768xf32, #tpu.memory_space<hbm>> -> memref<32x768xf32, #tpu.memory_space<hbm>>
      %dma_wait3A_387 = arith.constant 0 : i32
      %dma_wait3A_388 = tpu.memref_slice %arg4[%add3A_166, %dma_wait3A_387] : memref<16384x768xf32, #tpu.memory_space<hbm>> -> memref<32x768xf32, #tpu.memory_space<hbm>>
      %dma_wait3A_389 = arith.constant 0 : i32
      %dma_wait3A_390 = arith.constant 0 : i32
      %dma_wait3A_391 = tpu.memref_slice %arg6[%run_scoped3A_167, %dma_wait3A_389, %dma_wait3A_390] : memref<4x32x768xf32, #tpu.memory_space<vmem>> -> memref<1x32x768xf32, #tpu.memory_space<vmem>>
      %dma_wait3A_392 = tpu.memref_squeeze %dma_wait3A_391 : memref<1x32x768xf32, #tpu.memory_space<vmem>> -> memref<32x768xf32, #tpu.memory_space<vmem>>
      tpu.wait_dma2 semaphore(%run_scoped3A_368 : memref<!tpu.dma_semaphore, #tpu.memory_space<semaphore_mem>>) src(%dma_wait3A_392 : memref<32x768xf32, #tpu.memory_space<vmem>>) dst(%dma_wait3A_388 : memref<32x768xf32, #tpu.memory_space<hbm>>)
      tpu.yield
    }) : () -> ()
    %dma_start3A_168 = arith.constant 1 : i32
    %dma_start3A_169 = arith.constant 0 : i32
    %dma_start3A_170 = arith.constant 0 : i32
    %dma_start3A_171 = tpu.memref_slice %arg6[%dma_start3A_168, %dma_start3A_169, %dma_start3A_170] : memref<4x32x768xf32, #tpu.memory_space<vmem>> -> memref<1x32x768xf32, #tpu.memory_space<vmem>>
    %dma_start3A_172 = tpu.memref_squeeze %dma_start3A_171 : memref<1x32x768xf32, #tpu.memory_space<vmem>> -> memref<32x768xf32, #tpu.memory_space<vmem>>
    %dma_start3A_173 = arith.constant 288 : i32
    %dma_start3A_174 = tpu.memref_slice %arg5[%dma_start3A_173] : memref<512xi32, #tpu.memory_space<vmem>> -> memref<32xi32, #tpu.memory_space<vmem>>
    %dma_start3A_175 = arith.constant 0 : i32
    %dma_start3A_176 = arith.constant 0 : i32
    %dma_start3A_177 = tpu.memref_slice %arg3[%dma_start3A_175, %dma_start3A_176] : memref<100000x768xf32, #tpu.memory_space<hbm>> -> memref<100000x768xf32, #tpu.memory_space<hbm>>
    tpu.enqueue_indirect_dma source(%dma_start3A_177 : memref<100000x768xf32, #tpu.memory_space<hbm>>) target(%dma_start3A_172 : memref<32x768xf32, #tpu.memory_space<vmem>>) offsets(%dma_start3A_174 : memref<32xi32, #tpu.memory_space<vmem>>) semaphore(%arg8 : memref<!tpu.dma_semaphore, #tpu.memory_space<semaphore_mem>>)
    %dma_wait3A_178 = arith.constant 2 : i32
    %dma_wait3A_179 = arith.constant 0 : i32
    %dma_wait3A_180 = arith.constant 0 : i32
    %dma_wait3A_181 = tpu.memref_slice %arg6[%dma_wait3A_178, %dma_wait3A_179, %dma_wait3A_180] : memref<4x32x768xf32, #tpu.memory_space<vmem>> -> memref<1x32x768xf32, #tpu.memory_space<vmem>>
    %dma_wait3A_182 = tpu.memref_squeeze %dma_wait3A_181 : memref<1x32x768xf32, #tpu.memory_space<vmem>> -> memref<32x768xf32, #tpu.memory_space<vmem>>
    %dma_wait3A_183 = arith.constant 192 : i32
    %dma_wait3A_184 = tpu.memref_slice %arg5[%dma_wait3A_183] : memref<512xi32, #tpu.memory_space<vmem>> -> memref<32xi32, #tpu.memory_space<vmem>>
    %dma_wait3A_185 = arith.constant 0 : i32
    %dma_wait3A_186 = arith.constant 0 : i32
    %dma_wait3A_187 = tpu.memref_slice %arg3[%dma_wait3A_185, %dma_wait3A_186] : memref<100000x768xf32, #tpu.memory_space<hbm>> -> memref<100000x768xf32, #tpu.memory_space<hbm>>
    tpu.wait_indirect_dma semaphore(%arg9 : memref<!tpu.dma_semaphore, #tpu.memory_space<semaphore_mem>>) src(%dma_wait3A_187 : memref<100000x768xf32, #tpu.memory_space<hbm>>) dst(%dma_wait3A_182 : memref<32x768xf32, #tpu.memory_space<vmem>>)
    %add3A_188 = arith.constant 192 : i32
    %add3A_189 = arith.addi %mul3A_2, %add3A_188 : i32
    %run_scoped3A_190 = arith.constant 2 : i32
    "tpu.region"() ({
      %run_scoped3A_368 = tpu.sem_alloc : memref<!tpu.dma_semaphore, #tpu.memory_space<semaphore_mem>>
      %dma_start3A_369 = arith.constant 0 : i32
      %dma_start3A_370 = arith.constant 0 : i32
      %dma_start3A_371 = tpu.memref_slice %arg6[%run_scoped3A_190, %dma_start3A_369, %dma_start3A_370] : memref<4x32x768xf32, #tpu.memory_space<vmem>> -> memref<1x32x768xf32, #tpu.memory_space<vmem>>
      %dma_start3A_372 = tpu.memref_squeeze %dma_start3A_371 : memref<1x32x768xf32, #tpu.memory_space<vmem>> -> memref<32x768xf32, #tpu.memory_space<vmem>>
      %dma_start3A_373 = arith.constant 0 : i32
      %dma_start3A_374 = tpu.memref_slice %arg4[%add3A_189, %dma_start3A_373] : memref<16384x768xf32, #tpu.memory_space<hbm>> -> memref<32x768xf32, #tpu.memory_space<hbm>>
      %dma_start3A_375 = arith.constant 0 : i32
      %dma_start3A_376 = tpu.memref_slice %arg4[%add3A_189, %dma_start3A_375] : memref<16384x768xf32, #tpu.memory_space<hbm>> -> memref<32x768xf32, #tpu.memory_space<hbm>>
      %dma_start3A_377 = arith.constant 0 : i32
      %dma_start3A_378 = arith.constant 0 : i32
      %dma_start3A_379 = tpu.memref_slice %arg6[%run_scoped3A_190, %dma_start3A_377, %dma_start3A_378] : memref<4x32x768xf32, #tpu.memory_space<vmem>> -> memref<1x32x768xf32, #tpu.memory_space<vmem>>
      %dma_start3A_380 = tpu.memref_squeeze %dma_start3A_379 : memref<1x32x768xf32, #tpu.memory_space<vmem>> -> memref<32x768xf32, #tpu.memory_space<vmem>>
      tpu.enqueue_dma source(%dma_start3A_380 : memref<32x768xf32, #tpu.memory_space<vmem>>) target(%dma_start3A_376 : memref<32x768xf32, #tpu.memory_space<hbm>>) target_semaphore(%run_scoped3A_368 : memref<!tpu.dma_semaphore, #tpu.memory_space<semaphore_mem>>)
      %dma_wait3A_381 = arith.constant 0 : i32
      %dma_wait3A_382 = arith.constant 0 : i32
      %dma_wait3A_383 = tpu.memref_slice %arg6[%run_scoped3A_190, %dma_wait3A_381, %dma_wait3A_382] : memref<4x32x768xf32, #tpu.memory_space<vmem>> -> memref<1x32x768xf32, #tpu.memory_space<vmem>>
      %dma_wait3A_384 = tpu.memref_squeeze %dma_wait3A_383 : memref<1x32x768xf32, #tpu.memory_space<vmem>> -> memref<32x768xf32, #tpu.memory_space<vmem>>
      %dma_wait3A_385 = arith.constant 0 : i32
      %dma_wait3A_386 = tpu.memref_slice %arg4[%add3A_189, %dma_wait3A_385] : memref<16384x768xf32, #tpu.memory_space<hbm>> -> memref<32x768xf32, #tpu.memory_space<hbm>>
      %dma_wait3A_387 = arith.constant 0 : i32
      %dma_wait3A_388 = tpu.memref_slice %arg4[%add3A_189, %dma_wait3A_387] : memref<16384x768xf32, #tpu.memory_space<hbm>> -> memref<32x768xf32, #tpu.memory_space<hbm>>
      %dma_wait3A_389 = arith.constant 0 : i32
      %dma_wait3A_390 = arith.constant 0 : i32
      %dma_wait3A_391 = tpu.memref_slice %arg6[%run_scoped3A_190, %dma_wait3A_389, %dma_wait3A_390] : memref<4x32x768xf32, #tpu.memory_space<vmem>> -> memref<1x32x768xf32, #tpu.memory_space<vmem>>
      %dma_wait3A_392 = tpu.memref_squeeze %dma_wait3A_391 : memref<1x32x768xf32, #tpu.memory_space<vmem>> -> memref<32x768xf32, #tpu.memory_space<vmem>>
      tpu.wait_dma2 semaphore(%run_scoped3A_368 : memref<!tpu.dma_semaphore, #tpu.memory_space<semaphore_mem>>) src(%dma_wait3A_392 : memref<32x768xf32, #tpu.memory_space<vmem>>) dst(%dma_wait3A_388 : memref<32x768xf32, #tpu.memory_space<hbm>>)
      tpu.yield
    }) : () -> ()
    %dma_start3A_191 = arith.constant 2 : i32
    %dma_start3A_192 = arith.constant 0 : i32
    %dma_start3A_193 = arith.constant 0 : i32
    %dma_start3A_194 = tpu.memref_slice %arg6[%dma_start3A_191, %dma_start3A_192, %dma_start3A_193] : memref<4x32x768xf32, #tpu.memory_space<vmem>> -> memref<1x32x768xf32, #tpu.memory_space<vmem>>
    %dma_start3A_195 = tpu.memref_squeeze %dma_start3A_194 : memref<1x32x768xf32, #tpu.memory_space<vmem>> -> memref<32x768xf32, #tpu.memory_space<vmem>>
    %dma_start3A_196 = arith.constant 320 : i32
    %dma_start3A_197 = tpu.memref_slice %arg5[%dma_start3A_196] : memref<512xi32, #tpu.memory_space<vmem>> -> memref<32xi32, #tpu.memory_space<vmem>>
    %dma_start3A_198 = arith.constant 0 : i32
    %dma_start3A_199 = arith.constant 0 : i32
    %dma_start3A_200 = tpu.memref_slice %arg3[%dma_start3A_198, %dma_start3A_199] : memref<100000x768xf32, #tpu.memory_space<hbm>> -> memref<100000x768xf32, #tpu.memory_space<hbm>>
    tpu.enqueue_indirect_dma source(%dma_start3A_200 : memref<100000x768xf32, #tpu.memory_space<hbm>>) target(%dma_start3A_195 : memref<32x768xf32, #tpu.memory_space<vmem>>) offsets(%dma_start3A_197 : memref<32xi32, #tpu.memory_space<vmem>>) semaphore(%arg9 : memref<!tpu.dma_semaphore, #tpu.memory_space<semaphore_mem>>)
    %dma_wait3A_201 = arith.constant 3 : i32
    %dma_wait3A_202 = arith.constant 0 : i32
    %dma_wait3A_203 = arith.constant 0 : i32
    %dma_wait3A_204 = tpu.memref_slice %arg6[%dma_wait3A_201, %dma_wait3A_202, %dma_wait3A_203] : memref<4x32x768xf32, #tpu.memory_space<vmem>> -> memref<1x32x768xf32, #tpu.memory_space<vmem>>
    %dma_wait3A_205 = tpu.memref_squeeze %dma_wait3A_204 : memref<1x32x768xf32, #tpu.memory_space<vmem>> -> memref<32x768xf32, #tpu.memory_space<vmem>>
    %dma_wait3A_206 = arith.constant 224 : i32
    %dma_wait3A_207 = tpu.memref_slice %arg5[%dma_wait3A_206] : memref<512xi32, #tpu.memory_space<vmem>> -> memref<32xi32, #tpu.memory_space<vmem>>
    %dma_wait3A_208 = arith.constant 0 : i32
    %dma_wait3A_209 = arith.constant 0 : i32
    %dma_wait3A_210 = tpu.memref_slice %arg3[%dma_wait3A_208, %dma_wait3A_209] : memref<100000x768xf32, #tpu.memory_space<hbm>> -> memref<100000x768xf32, #tpu.memory_space<hbm>>
    tpu.wait_indirect_dma semaphore(%arg10 : memref<!tpu.dma_semaphore, #tpu.memory_space<semaphore_mem>>) src(%dma_wait3A_210 : memref<100000x768xf32, #tpu.memory_space<hbm>>) dst(%dma_wait3A_205 : memref<32x768xf32, #tpu.memory_space<vmem>>)
    %add3A_211 = arith.constant 224 : i32
    %add3A_212 = arith.addi %mul3A_2, %add3A_211 : i32
    %run_scoped3A_213 = arith.constant 3 : i32
    "tpu.region"() ({
      %run_scoped3A_368 = tpu.sem_alloc : memref<!tpu.dma_semaphore, #tpu.memory_space<semaphore_mem>>
      %dma_start3A_369 = arith.constant 0 : i32
      %dma_start3A_370 = arith.constant 0 : i32
      %dma_start3A_371 = tpu.memref_slice %arg6[%run_scoped3A_213, %dma_start3A_369, %dma_start3A_370] : memref<4x32x768xf32, #tpu.memory_space<vmem>> -> memref<1x32x768xf32, #tpu.memory_space<vmem>>
      %dma_start3A_372 = tpu.memref_squeeze %dma_start3A_371 : memref<1x32x768xf32, #tpu.memory_space<vmem>> -> memref<32x768xf32, #tpu.memory_space<vmem>>
      %dma_start3A_373 = arith.constant 0 : i32
      %dma_start3A_374 = tpu.memref_slice %arg4[%add3A_212, %dma_start3A_373] : memref<16384x768xf32, #tpu.memory_space<hbm>> -> memref<32x768xf32, #tpu.memory_space<hbm>>
      %dma_start3A_375 = arith.constant 0 : i32
      %dma_start3A_376 = tpu.memref_slice %arg4[%add3A_212, %dma_start3A_375] : memref<16384x768xf32, #tpu.memory_space<hbm>> -> memref<32x768xf32, #tpu.memory_space<hbm>>
      %dma_start3A_377 = arith.constant 0 : i32
      %dma_start3A_378 = arith.constant 0 : i32
      %dma_start3A_379 = tpu.memref_slice %arg6[%run_scoped3A_213, %dma_start3A_377, %dma_start3A_378] : memref<4x32x768xf32, #tpu.memory_space<vmem>> -> memref<1x32x768xf32, #tpu.memory_space<vmem>>
      %dma_start3A_380 = tpu.memref_squeeze %dma_start3A_379 : memref<1x32x768xf32, #tpu.memory_space<vmem>> -> memref<32x768xf32, #tpu.memory_space<vmem>>
      tpu.enqueue_dma source(%dma_start3A_380 : memref<32x768xf32, #tpu.memory_space<vmem>>) target(%dma_start3A_376 : memref<32x768xf32, #tpu.memory_space<hbm>>) target_semaphore(%run_scoped3A_368 : memref<!tpu.dma_semaphore, #tpu.memory_space<semaphore_mem>>)
      %dma_wait3A_381 = arith.constant 0 : i32
      %dma_wait3A_382 = arith.constant 0 : i32
      %dma_wait3A_383 = tpu.memref_slice %arg6[%run_scoped3A_213, %dma_wait3A_381, %dma_wait3A_382] : memref<4x32x768xf32, #tpu.memory_space<vmem>> -> memref<1x32x768xf32, #tpu.memory_space<vmem>>
      %dma_wait3A_384 = tpu.memref_squeeze %dma_wait3A_383 : memref<1x32x768xf32, #tpu.memory_space<vmem>> -> memref<32x768xf32, #tpu.memory_space<vmem>>
      %dma_wait3A_385 = arith.constant 0 : i32
      %dma_wait3A_386 = tpu.memref_slice %arg4[%add3A_212, %dma_wait3A_385] : memref<16384x768xf32, #tpu.memory_space<hbm>> -> memref<32x768xf32, #tpu.memory_space<hbm>>
      %dma_wait3A_387 = arith.constant 0 : i32
      %dma_wait3A_388 = tpu.memref_slice %arg4[%add3A_212, %dma_wait3A_387] : memref<16384x768xf32, #tpu.memory_space<hbm>> -> memref<32x768xf32, #tpu.memory_space<hbm>>
      %dma_wait3A_389 = arith.constant 0 : i32
      %dma_wait3A_390 = arith.constant 0 : i32
      %dma_wait3A_391 = tpu.memref_slice %arg6[%run_scoped3A_213, %dma_wait3A_389, %dma_wait3A_390] : memref<4x32x768xf32, #tpu.memory_space<vmem>> -> memref<1x32x768xf32, #tpu.memory_space<vmem>>
      %dma_wait3A_392 = tpu.memref_squeeze %dma_wait3A_391 : memref<1x32x768xf32, #tpu.memory_space<vmem>> -> memref<32x768xf32, #tpu.memory_space<vmem>>
      tpu.wait_dma2 semaphore(%run_scoped3A_368 : memref<!tpu.dma_semaphore, #tpu.memory_space<semaphore_mem>>) src(%dma_wait3A_392 : memref<32x768xf32, #tpu.memory_space<vmem>>) dst(%dma_wait3A_388 : memref<32x768xf32, #tpu.memory_space<hbm>>)
      tpu.yield
    }) : () -> ()
    %dma_start3A_214 = arith.constant 3 : i32
    %dma_start3A_215 = arith.constant 0 : i32
    %dma_start3A_216 = arith.constant 0 : i32
    %dma_start3A_217 = tpu.memref_slice %arg6[%dma_start3A_214, %dma_start3A_215, %dma_start3A_216] : memref<4x32x768xf32, #tpu.memory_space<vmem>> -> memref<1x32x768xf32, #tpu.memory_space<vmem>>
    %dma_start3A_218 = tpu.memref_squeeze %dma_start3A_217 : memref<1x32x768xf32, #tpu.memory_space<vmem>> -> memref<32x768xf32, #tpu.memory_space<vmem>>
    %dma_start3A_219 = arith.constant 352 : i32
    %dma_start3A_220 = tpu.memref_slice %arg5[%dma_start3A_219] : memref<512xi32, #tpu.memory_space<vmem>> -> memref<32xi32, #tpu.memory_space<vmem>>
    %dma_start3A_221 = arith.constant 0 : i32
    %dma_start3A_222 = arith.constant 0 : i32
    %dma_start3A_223 = tpu.memref_slice %arg3[%dma_start3A_221, %dma_start3A_222] : memref<100000x768xf32, #tpu.memory_space<hbm>> -> memref<100000x768xf32, #tpu.memory_space<hbm>>
    tpu.enqueue_indirect_dma source(%dma_start3A_223 : memref<100000x768xf32, #tpu.memory_space<hbm>>) target(%dma_start3A_218 : memref<32x768xf32, #tpu.memory_space<vmem>>) offsets(%dma_start3A_220 : memref<32xi32, #tpu.memory_space<vmem>>) semaphore(%arg10 : memref<!tpu.dma_semaphore, #tpu.memory_space<semaphore_mem>>)
    %dma_wait3A_224 = arith.constant 0 : i32
    %dma_wait3A_225 = arith.constant 0 : i32
    %dma_wait3A_226 = arith.constant 0 : i32
    %dma_wait3A_227 = tpu.memref_slice %arg6[%dma_wait3A_224, %dma_wait3A_225, %dma_wait3A_226] : memref<4x32x768xf32, #tpu.memory_space<vmem>> -> memref<1x32x768xf32, #tpu.memory_space<vmem>>
    %dma_wait3A_228 = tpu.memref_squeeze %dma_wait3A_227 : memref<1x32x768xf32, #tpu.memory_space<vmem>> -> memref<32x768xf32, #tpu.memory_space<vmem>>
    %dma_wait3A_229 = arith.constant 256 : i32
    %dma_wait3A_230 = tpu.memref_slice %arg5[%dma_wait3A_229] : memref<512xi32, #tpu.memory_space<vmem>> -> memref<32xi32, #tpu.memory_space<vmem>>
    %dma_wait3A_231 = arith.constant 0 : i32
    %dma_wait3A_232 = arith.constant 0 : i32
    %dma_wait3A_233 = tpu.memref_slice %arg3[%dma_wait3A_231, %dma_wait3A_232] : memref<100000x768xf32, #tpu.memory_space<hbm>> -> memref<100000x768xf32, #tpu.memory_space<hbm>>
    tpu.wait_indirect_dma semaphore(%arg7 : memref<!tpu.dma_semaphore, #tpu.memory_space<semaphore_mem>>) src(%dma_wait3A_233 : memref<100000x768xf32, #tpu.memory_space<hbm>>) dst(%dma_wait3A_228 : memref<32x768xf32, #tpu.memory_space<vmem>>)
    %add3A_234 = arith.constant 256 : i32
    %add3A_235 = arith.addi %mul3A_2, %add3A_234 : i32
    %run_scoped3A_236 = arith.constant 0 : i32
    "tpu.region"() ({
      %run_scoped3A_368 = tpu.sem_alloc : memref<!tpu.dma_semaphore, #tpu.memory_space<semaphore_mem>>
      %dma_start3A_369 = arith.constant 0 : i32
      %dma_start3A_370 = arith.constant 0 : i32
      %dma_start3A_371 = tpu.memref_slice %arg6[%run_scoped3A_236, %dma_start3A_369, %dma_start3A_370] : memref<4x32x768xf32, #tpu.memory_space<vmem>> -> memref<1x32x768xf32, #tpu.memory_space<vmem>>
      %dma_start3A_372 = tpu.memref_squeeze %dma_start3A_371 : memref<1x32x768xf32, #tpu.memory_space<vmem>> -> memref<32x768xf32, #tpu.memory_space<vmem>>
      %dma_start3A_373 = arith.constant 0 : i32
      %dma_start3A_374 = tpu.memref_slice %arg4[%add3A_235, %dma_start3A_373] : memref<16384x768xf32, #tpu.memory_space<hbm>> -> memref<32x768xf32, #tpu.memory_space<hbm>>
      %dma_start3A_375 = arith.constant 0 : i32
      %dma_start3A_376 = tpu.memref_slice %arg4[%add3A_235, %dma_start3A_375] : memref<16384x768xf32, #tpu.memory_space<hbm>> -> memref<32x768xf32, #tpu.memory_space<hbm>>
      %dma_start3A_377 = arith.constant 0 : i32
      %dma_start3A_378 = arith.constant 0 : i32
      %dma_start3A_379 = tpu.memref_slice %arg6[%run_scoped3A_236, %dma_start3A_377, %dma_start3A_378] : memref<4x32x768xf32, #tpu.memory_space<vmem>> -> memref<1x32x768xf32, #tpu.memory_space<vmem>>
      %dma_start3A_380 = tpu.memref_squeeze %dma_start3A_379 : memref<1x32x768xf32, #tpu.memory_space<vmem>> -> memref<32x768xf32, #tpu.memory_space<vmem>>
      tpu.enqueue_dma source(%dma_start3A_380 : memref<32x768xf32, #tpu.memory_space<vmem>>) target(%dma_start3A_376 : memref<32x768xf32, #tpu.memory_space<hbm>>) target_semaphore(%run_scoped3A_368 : memref<!tpu.dma_semaphore, #tpu.memory_space<semaphore_mem>>)
      %dma_wait3A_381 = arith.constant 0 : i32
      %dma_wait3A_382 = arith.constant 0 : i32
      %dma_wait3A_383 = tpu.memref_slice %arg6[%run_scoped3A_236, %dma_wait3A_381, %dma_wait3A_382] : memref<4x32x768xf32, #tpu.memory_space<vmem>> -> memref<1x32x768xf32, #tpu.memory_space<vmem>>
      %dma_wait3A_384 = tpu.memref_squeeze %dma_wait3A_383 : memref<1x32x768xf32, #tpu.memory_space<vmem>> -> memref<32x768xf32, #tpu.memory_space<vmem>>
      %dma_wait3A_385 = arith.constant 0 : i32
      %dma_wait3A_386 = tpu.memref_slice %arg4[%add3A_235, %dma_wait3A_385] : memref<16384x768xf32, #tpu.memory_space<hbm>> -> memref<32x768xf32, #tpu.memory_space<hbm>>
      %dma_wait3A_387 = arith.constant 0 : i32
      %dma_wait3A_388 = tpu.memref_slice %arg4[%add3A_235, %dma_wait3A_387] : memref<16384x768xf32, #tpu.memory_space<hbm>> -> memref<32x768xf32, #tpu.memory_space<hbm>>
      %dma_wait3A_389 = arith.constant 0 : i32
      %dma_wait3A_390 = arith.constant 0 : i32
      %dma_wait3A_391 = tpu.memref_slice %arg6[%run_scoped3A_236, %dma_wait3A_389, %dma_wait3A_390] : memref<4x32x768xf32, #tpu.memory_space<vmem>> -> memref<1x32x768xf32, #tpu.memory_space<vmem>>
      %dma_wait3A_392 = tpu.memref_squeeze %dma_wait3A_391 : memref<1x32x768xf32, #tpu.memory_space<vmem>> -> memref<32x768xf32, #tpu.memory_space<vmem>>
      tpu.wait_dma2 semaphore(%run_scoped3A_368 : memref<!tpu.dma_semaphore, #tpu.memory_space<semaphore_mem>>) src(%dma_wait3A_392 : memref<32x768xf32, #tpu.memory_space<vmem>>) dst(%dma_wait3A_388 : memref<32x768xf32, #tpu.memory_space<hbm>>)
      tpu.yield
    }) : () -> ()
    %dma_start3A_237 = arith.constant 0 : i32
    %dma_start3A_238 = arith.constant 0 : i32
    %dma_start3A_239 = arith.constant 0 : i32
    %dma_start3A_240 = tpu.memref_slice %arg6[%dma_start3A_237, %dma_start3A_238, %dma_start3A_239] : memref<4x32x768xf32, #tpu.memory_space<vmem>> -> memref<1x32x768xf32, #tpu.memory_space<vmem>>
    %dma_start3A_241 = tpu.memref_squeeze %dma_start3A_240 : memref<1x32x768xf32, #tpu.memory_space<vmem>> -> memref<32x768xf32, #tpu.memory_space<vmem>>
    %dma_start3A_242 = arith.constant 384 : i32
    %dma_start3A_243 = tpu.memref_slice %arg5[%dma_start3A_242] : memref<512xi32, #tpu.memory_space<vmem>> -> memref<32xi32, #tpu.memory_space<vmem>>
    %dma_start3A_244 = arith.constant 0 : i32
    %dma_start3A_245 = arith.constant 0 : i32
    %dma_start3A_246 = tpu.memref_slice %arg3[%dma_start3A_244, %dma_start3A_245] : memref<100000x768xf32, #tpu.memory_space<hbm>> -> memref<100000x768xf32, #tpu.memory_space<hbm>>
    tpu.enqueue_indirect_dma source(%dma_start3A_246 : memref<100000x768xf32, #tpu.memory_space<hbm>>) target(%dma_start3A_241 : memref<32x768xf32, #tpu.memory_space<vmem>>) offsets(%dma_start3A_243 : memref<32xi32, #tpu.memory_space<vmem>>) semaphore(%arg7 : memref<!tpu.dma_semaphore, #tpu.memory_space<semaphore_mem>>)
    %dma_wait3A_247 = arith.constant 1 : i32
    %dma_wait3A_248 = arith.constant 0 : i32
    %dma_wait3A_249 = arith.constant 0 : i32
    %dma_wait3A_250 = tpu.memref_slice %arg6[%dma_wait3A_247, %dma_wait3A_248, %dma_wait3A_249] : memref<4x32x768xf32, #tpu.memory_space<vmem>> -> memref<1x32x768xf32, #tpu.memory_space<vmem>>
    %dma_wait3A_251 = tpu.memref_squeeze %dma_wait3A_250 : memref<1x32x768xf32, #tpu.memory_space<vmem>> -> memref<32x768xf32, #tpu.memory_space<vmem>>
    %dma_wait3A_252 = arith.constant 288 : i32
    %dma_wait3A_253 = tpu.memref_slice %arg5[%dma_wait3A_252] : memref<512xi32, #tpu.memory_space<vmem>> -> memref<32xi32, #tpu.memory_space<vmem>>
    %dma_wait3A_254 = arith.constant 0 : i32
    %dma_wait3A_255 = arith.constant 0 : i32
    %dma_wait3A_256 = tpu.memref_slice %arg3[%dma_wait3A_254, %dma_wait3A_255] : memref<100000x768xf32, #tpu.memory_space<hbm>> -> memref<100000x768xf32, #tpu.memory_space<hbm>>
    tpu.wait_indirect_dma semaphore(%arg8 : memref<!tpu.dma_semaphore, #tpu.memory_space<semaphore_mem>>) src(%dma_wait3A_256 : memref<100000x768xf32, #tpu.memory_space<hbm>>) dst(%dma_wait3A_251 : memref<32x768xf32, #tpu.memory_space<vmem>>)
    %add3A_257 = arith.constant 288 : i32
    %add3A_258 = arith.addi %mul3A_2, %add3A_257 : i32
    %run_scoped3A_259 = arith.constant 1 : i32
    "tpu.region"() ({
      %run_scoped3A_368 = tpu.sem_alloc : memref<!tpu.dma_semaphore, #tpu.memory_space<semaphore_mem>>
      %dma_start3A_369 = arith.constant 0 : i32
      %dma_start3A_370 = arith.constant 0 : i32
      %dma_start3A_371 = tpu.memref_slice %arg6[%run_scoped3A_259, %dma_start3A_369, %dma_start3A_370] : memref<4x32x768xf32, #tpu.memory_space<vmem>> -> memref<1x32x768xf32, #tpu.memory_space<vmem>>
      %dma_start3A_372 = tpu.memref_squeeze %dma_start3A_371 : memref<1x32x768xf32, #tpu.memory_space<vmem>> -> memref<32x768xf32, #tpu.memory_space<vmem>>
      %dma_start3A_373 = arith.constant 0 : i32
      %dma_start3A_374 = tpu.memref_slice %arg4[%add3A_258, %dma_start3A_373] : memref<16384x768xf32, #tpu.memory_space<hbm>> -> memref<32x768xf32, #tpu.memory_space<hbm>>
      %dma_start3A_375 = arith.constant 0 : i32
      %dma_start3A_376 = tpu.memref_slice %arg4[%add3A_258, %dma_start3A_375] : memref<16384x768xf32, #tpu.memory_space<hbm>> -> memref<32x768xf32, #tpu.memory_space<hbm>>
      %dma_start3A_377 = arith.constant 0 : i32
      %dma_start3A_378 = arith.constant 0 : i32
      %dma_start3A_379 = tpu.memref_slice %arg6[%run_scoped3A_259, %dma_start3A_377, %dma_start3A_378] : memref<4x32x768xf32, #tpu.memory_space<vmem>> -> memref<1x32x768xf32, #tpu.memory_space<vmem>>
      %dma_start3A_380 = tpu.memref_squeeze %dma_start3A_379 : memref<1x32x768xf32, #tpu.memory_space<vmem>> -> memref<32x768xf32, #tpu.memory_space<vmem>>
      tpu.enqueue_dma source(%dma_start3A_380 : memref<32x768xf32, #tpu.memory_space<vmem>>) target(%dma_start3A_376 : memref<32x768xf32, #tpu.memory_space<hbm>>) target_semaphore(%run_scoped3A_368 : memref<!tpu.dma_semaphore, #tpu.memory_space<semaphore_mem>>)
      %dma_wait3A_381 = arith.constant 0 : i32
      %dma_wait3A_382 = arith.constant 0 : i32
      %dma_wait3A_383 = tpu.memref_slice %arg6[%run_scoped3A_259, %dma_wait3A_381, %dma_wait3A_382] : memref<4x32x768xf32, #tpu.memory_space<vmem>> -> memref<1x32x768xf32, #tpu.memory_space<vmem>>
      %dma_wait3A_384 = tpu.memref_squeeze %dma_wait3A_383 : memref<1x32x768xf32, #tpu.memory_space<vmem>> -> memref<32x768xf32, #tpu.memory_space<vmem>>
      %dma_wait3A_385 = arith.constant 0 : i32
      %dma_wait3A_386 = tpu.memref_slice %arg4[%add3A_258, %dma_wait3A_385] : memref<16384x768xf32, #tpu.memory_space<hbm>> -> memref<32x768xf32, #tpu.memory_space<hbm>>
      %dma_wait3A_387 = arith.constant 0 : i32
      %dma_wait3A_388 = tpu.memref_slice %arg4[%add3A_258, %dma_wait3A_387] : memref<16384x768xf32, #tpu.memory_space<hbm>> -> memref<32x768xf32, #tpu.memory_space<hbm>>
      %dma_wait3A_389 = arith.constant 0 : i32
      %dma_wait3A_390 = arith.constant 0 : i32
      %dma_wait3A_391 = tpu.memref_slice %arg6[%run_scoped3A_259, %dma_wait3A_389, %dma_wait3A_390] : memref<4x32x768xf32, #tpu.memory_space<vmem>> -> memref<1x32x768xf32, #tpu.memory_space<vmem>>
      %dma_wait3A_392 = tpu.memref_squeeze %dma_wait3A_391 : memref<1x32x768xf32, #tpu.memory_space<vmem>> -> memref<32x768xf32, #tpu.memory_space<vmem>>
      tpu.wait_dma2 semaphore(%run_scoped3A_368 : memref<!tpu.dma_semaphore, #tpu.memory_space<semaphore_mem>>) src(%dma_wait3A_392 : memref<32x768xf32, #tpu.memory_space<vmem>>) dst(%dma_wait3A_388 : memref<32x768xf32, #tpu.memory_space<hbm>>)
      tpu.yield
    }) : () -> ()
    %dma_start3A_260 = arith.constant 1 : i32
    %dma_start3A_261 = arith.constant 0 : i32
    %dma_start3A_262 = arith.constant 0 : i32
    %dma_start3A_263 = tpu.memref_slice %arg6[%dma_start3A_260, %dma_start3A_261, %dma_start3A_262] : memref<4x32x768xf32, #tpu.memory_space<vmem>> -> memref<1x32x768xf32, #tpu.memory_space<vmem>>
    %dma_start3A_264 = tpu.memref_squeeze %dma_start3A_263 : memref<1x32x768xf32, #tpu.memory_space<vmem>> -> memref<32x768xf32, #tpu.memory_space<vmem>>
    %dma_start3A_265 = arith.constant 416 : i32
    %dma_start3A_266 = tpu.memref_slice %arg5[%dma_start3A_265] : memref<512xi32, #tpu.memory_space<vmem>> -> memref<32xi32, #tpu.memory_space<vmem>>
    %dma_start3A_267 = arith.constant 0 : i32
    %dma_start3A_268 = arith.constant 0 : i32
    %dma_start3A_269 = tpu.memref_slice %arg3[%dma_start3A_267, %dma_start3A_268] : memref<100000x768xf32, #tpu.memory_space<hbm>> -> memref<100000x768xf32, #tpu.memory_space<hbm>>
    tpu.enqueue_indirect_dma source(%dma_start3A_269 : memref<100000x768xf32, #tpu.memory_space<hbm>>) target(%dma_start3A_264 : memref<32x768xf32, #tpu.memory_space<vmem>>) offsets(%dma_start3A_266 : memref<32xi32, #tpu.memory_space<vmem>>) semaphore(%arg8 : memref<!tpu.dma_semaphore, #tpu.memory_space<semaphore_mem>>)
    %dma_wait3A_270 = arith.constant 2 : i32
    %dma_wait3A_271 = arith.constant 0 : i32
    %dma_wait3A_272 = arith.constant 0 : i32
    %dma_wait3A_273 = tpu.memref_slice %arg6[%dma_wait3A_270, %dma_wait3A_271, %dma_wait3A_272] : memref<4x32x768xf32, #tpu.memory_space<vmem>> -> memref<1x32x768xf32, #tpu.memory_space<vmem>>
    %dma_wait3A_274 = tpu.memref_squeeze %dma_wait3A_273 : memref<1x32x768xf32, #tpu.memory_space<vmem>> -> memref<32x768xf32, #tpu.memory_space<vmem>>
    %dma_wait3A_275 = arith.constant 320 : i32
    %dma_wait3A_276 = tpu.memref_slice %arg5[%dma_wait3A_275] : memref<512xi32, #tpu.memory_space<vmem>> -> memref<32xi32, #tpu.memory_space<vmem>>
    %dma_wait3A_277 = arith.constant 0 : i32
    %dma_wait3A_278 = arith.constant 0 : i32
    %dma_wait3A_279 = tpu.memref_slice %arg3[%dma_wait3A_277, %dma_wait3A_278] : memref<100000x768xf32, #tpu.memory_space<hbm>> -> memref<100000x768xf32, #tpu.memory_space<hbm>>
    tpu.wait_indirect_dma semaphore(%arg9 : memref<!tpu.dma_semaphore, #tpu.memory_space<semaphore_mem>>) src(%dma_wait3A_279 : memref<100000x768xf32, #tpu.memory_space<hbm>>) dst(%dma_wait3A_274 : memref<32x768xf32, #tpu.memory_space<vmem>>)
    %add3A_280 = arith.constant 320 : i32
    %add3A_281 = arith.addi %mul3A_2, %add3A_280 : i32
    %run_scoped3A_282 = arith.constant 2 : i32
    "tpu.region"() ({
      %run_scoped3A_368 = tpu.sem_alloc : memref<!tpu.dma_semaphore, #tpu.memory_space<semaphore_mem>>
      %dma_start3A_369 = arith.constant 0 : i32
      %dma_start3A_370 = arith.constant 0 : i32
      %dma_start3A_371 = tpu.memref_slice %arg6[%run_scoped3A_282, %dma_start3A_369, %dma_start3A_370] : memref<4x32x768xf32, #tpu.memory_space<vmem>> -> memref<1x32x768xf32, #tpu.memory_space<vmem>>
      %dma_start3A_372 = tpu.memref_squeeze %dma_start3A_371 : memref<1x32x768xf32, #tpu.memory_space<vmem>> -> memref<32x768xf32, #tpu.memory_space<vmem>>
      %dma_start3A_373 = arith.constant 0 : i32
      %dma_start3A_374 = tpu.memref_slice %arg4[%add3A_281, %dma_start3A_373] : memref<16384x768xf32, #tpu.memory_space<hbm>> -> memref<32x768xf32, #tpu.memory_space<hbm>>
      %dma_start3A_375 = arith.constant 0 : i32
      %dma_start3A_376 = tpu.memref_slice %arg4[%add3A_281, %dma_start3A_375] : memref<16384x768xf32, #tpu.memory_space<hbm>> -> memref<32x768xf32, #tpu.memory_space<hbm>>
      %dma_start3A_377 = arith.constant 0 : i32
      %dma_start3A_378 = arith.constant 0 : i32
      %dma_start3A_379 = tpu.memref_slice %arg6[%run_scoped3A_282, %dma_start3A_377, %dma_start3A_378] : memref<4x32x768xf32, #tpu.memory_space<vmem>> -> memref<1x32x768xf32, #tpu.memory_space<vmem>>
      %dma_start3A_380 = tpu.memref_squeeze %dma_start3A_379 : memref<1x32x768xf32, #tpu.memory_space<vmem>> -> memref<32x768xf32, #tpu.memory_space<vmem>>
      tpu.enqueue_dma source(%dma_start3A_380 : memref<32x768xf32, #tpu.memory_space<vmem>>) target(%dma_start3A_376 : memref<32x768xf32, #tpu.memory_space<hbm>>) target_semaphore(%run_scoped3A_368 : memref<!tpu.dma_semaphore, #tpu.memory_space<semaphore_mem>>)
      %dma_wait3A_381 = arith.constant 0 : i32
      %dma_wait3A_382 = arith.constant 0 : i32
      %dma_wait3A_383 = tpu.memref_slice %arg6[%run_scoped3A_282, %dma_wait3A_381, %dma_wait3A_382] : memref<4x32x768xf32, #tpu.memory_space<vmem>> -> memref<1x32x768xf32, #tpu.memory_space<vmem>>
      %dma_wait3A_384 = tpu.memref_squeeze %dma_wait3A_383 : memref<1x32x768xf32, #tpu.memory_space<vmem>> -> memref<32x768xf32, #tpu.memory_space<vmem>>
      %dma_wait3A_385 = arith.constant 0 : i32
      %dma_wait3A_386 = tpu.memref_slice %arg4[%add3A_281, %dma_wait3A_385] : memref<16384x768xf32, #tpu.memory_space<hbm>> -> memref<32x768xf32, #tpu.memory_space<hbm>>
      %dma_wait3A_387 = arith.constant 0 : i32
      %dma_wait3A_388 = tpu.memref_slice %arg4[%add3A_281, %dma_wait3A_387] : memref<16384x768xf32, #tpu.memory_space<hbm>> -> memref<32x768xf32, #tpu.memory_space<hbm>>
      %dma_wait3A_389 = arith.constant 0 : i32
      %dma_wait3A_390 = arith.constant 0 : i32
      %dma_wait3A_391 = tpu.memref_slice %arg6[%run_scoped3A_282, %dma_wait3A_389, %dma_wait3A_390] : memref<4x32x768xf32, #tpu.memory_space<vmem>> -> memref<1x32x768xf32, #tpu.memory_space<vmem>>
      %dma_wait3A_392 = tpu.memref_squeeze %dma_wait3A_391 : memref<1x32x768xf32, #tpu.memory_space<vmem>> -> memref<32x768xf32, #tpu.memory_space<vmem>>
      tpu.wait_dma2 semaphore(%run_scoped3A_368 : memref<!tpu.dma_semaphore, #tpu.memory_space<semaphore_mem>>) src(%dma_wait3A_392 : memref<32x768xf32, #tpu.memory_space<vmem>>) dst(%dma_wait3A_388 : memref<32x768xf32, #tpu.memory_space<hbm>>)
      tpu.yield
    }) : () -> ()
    %dma_start3A_283 = arith.constant 2 : i32
    %dma_start3A_284 = arith.constant 0 : i32
    %dma_start3A_285 = arith.constant 0 : i32
    %dma_start3A_286 = tpu.memref_slice %arg6[%dma_start3A_283, %dma_start3A_284, %dma_start3A_285] : memref<4x32x768xf32, #tpu.memory_space<vmem>> -> memref<1x32x768xf32, #tpu.memory_space<vmem>>
    %dma_start3A_287 = tpu.memref_squeeze %dma_start3A_286 : memref<1x32x768xf32, #tpu.memory_space<vmem>> -> memref<32x768xf32, #tpu.memory_space<vmem>>
    %dma_start3A_288 = arith.constant 448 : i32
    %dma_start3A_289 = tpu.memref_slice %arg5[%dma_start3A_288] : memref<512xi32, #tpu.memory_space<vmem>> -> memref<32xi32, #tpu.memory_space<vmem>>
    %dma_start3A_290 = arith.constant 0 : i32
    %dma_start3A_291 = arith.constant 0 : i32
    %dma_start3A_292 = tpu.memref_slice %arg3[%dma_start3A_290, %dma_start3A_291] : memref<100000x768xf32, #tpu.memory_space<hbm>> -> memref<100000x768xf32, #tpu.memory_space<hbm>>
    tpu.enqueue_indirect_dma source(%dma_start3A_292 : memref<100000x768xf32, #tpu.memory_space<hbm>>) target(%dma_start3A_287 : memref<32x768xf32, #tpu.memory_space<vmem>>) offsets(%dma_start3A_289 : memref<32xi32, #tpu.memory_space<vmem>>) semaphore(%arg9 : memref<!tpu.dma_semaphore, #tpu.memory_space<semaphore_mem>>)
    %dma_wait3A_293 = arith.constant 3 : i32
    %dma_wait3A_294 = arith.constant 0 : i32
    %dma_wait3A_295 = arith.constant 0 : i32
    %dma_wait3A_296 = tpu.memref_slice %arg6[%dma_wait3A_293, %dma_wait3A_294, %dma_wait3A_295] : memref<4x32x768xf32, #tpu.memory_space<vmem>> -> memref<1x32x768xf32, #tpu.memory_space<vmem>>
    %dma_wait3A_297 = tpu.memref_squeeze %dma_wait3A_296 : memref<1x32x768xf32, #tpu.memory_space<vmem>> -> memref<32x768xf32, #tpu.memory_space<vmem>>
    %dma_wait3A_298 = arith.constant 352 : i32
    %dma_wait3A_299 = tpu.memref_slice %arg5[%dma_wait3A_298] : memref<512xi32, #tpu.memory_space<vmem>> -> memref<32xi32, #tpu.memory_space<vmem>>
    %dma_wait3A_300 = arith.constant 0 : i32
    %dma_wait3A_301 = arith.constant 0 : i32
    %dma_wait3A_302 = tpu.memref_slice %arg3[%dma_wait3A_300, %dma_wait3A_301] : memref<100000x768xf32, #tpu.memory_space<hbm>> -> memref<100000x768xf32, #tpu.memory_space<hbm>>
    tpu.wait_indirect_dma semaphore(%arg10 : memref<!tpu.dma_semaphore, #tpu.memory_space<semaphore_mem>>) src(%dma_wait3A_302 : memref<100000x768xf32, #tpu.memory_space<hbm>>) dst(%dma_wait3A_297 : memref<32x768xf32, #tpu.memory_space<vmem>>)
    %add3A_303 = arith.constant 352 : i32
    %add3A_304 = arith.addi %mul3A_2, %add3A_303 : i32
    %run_scoped3A_305 = arith.constant 3 : i32
    "tpu.region"() ({
      %run_scoped3A_368 = tpu.sem_alloc : memref<!tpu.dma_semaphore, #tpu.memory_space<semaphore_mem>>
      %dma_start3A_369 = arith.constant 0 : i32
      %dma_start3A_370 = arith.constant 0 : i32
      %dma_start3A_371 = tpu.memref_slice %arg6[%run_scoped3A_305, %dma_start3A_369, %dma_start3A_370] : memref<4x32x768xf32, #tpu.memory_space<vmem>> -> memref<1x32x768xf32, #tpu.memory_space<vmem>>
      %dma_start3A_372 = tpu.memref_squeeze %dma_start3A_371 : memref<1x32x768xf32, #tpu.memory_space<vmem>> -> memref<32x768xf32, #tpu.memory_space<vmem>>
      %dma_start3A_373 = arith.constant 0 : i32
      %dma_start3A_374 = tpu.memref_slice %arg4[%add3A_304, %dma_start3A_373] : memref<16384x768xf32, #tpu.memory_space<hbm>> -> memref<32x768xf32, #tpu.memory_space<hbm>>
      %dma_start3A_375 = arith.constant 0 : i32
      %dma_start3A_376 = tpu.memref_slice %arg4[%add3A_304, %dma_start3A_375] : memref<16384x768xf32, #tpu.memory_space<hbm>> -> memref<32x768xf32, #tpu.memory_space<hbm>>
      %dma_start3A_377 = arith.constant 0 : i32
      %dma_start3A_378 = arith.constant 0 : i32
      %dma_start3A_379 = tpu.memref_slice %arg6[%run_scoped3A_305, %dma_start3A_377, %dma_start3A_378] : memref<4x32x768xf32, #tpu.memory_space<vmem>> -> memref<1x32x768xf32, #tpu.memory_space<vmem>>
      %dma_start3A_380 = tpu.memref_squeeze %dma_start3A_379 : memref<1x32x768xf32, #tpu.memory_space<vmem>> -> memref<32x768xf32, #tpu.memory_space<vmem>>
      tpu.enqueue_dma source(%dma_start3A_380 : memref<32x768xf32, #tpu.memory_space<vmem>>) target(%dma_start3A_376 : memref<32x768xf32, #tpu.memory_space<hbm>>) target_semaphore(%run_scoped3A_368 : memref<!tpu.dma_semaphore, #tpu.memory_space<semaphore_mem>>)
      %dma_wait3A_381 = arith.constant 0 : i32
      %dma_wait3A_382 = arith.constant 0 : i32
      %dma_wait3A_383 = tpu.memref_slice %arg6[%run_scoped3A_305, %dma_wait3A_381, %dma_wait3A_382] : memref<4x32x768xf32, #tpu.memory_space<vmem>> -> memref<1x32x768xf32, #tpu.memory_space<vmem>>
      %dma_wait3A_384 = tpu.memref_squeeze %dma_wait3A_383 : memref<1x32x768xf32, #tpu.memory_space<vmem>> -> memref<32x768xf32, #tpu.memory_space<vmem>>
      %dma_wait3A_385 = arith.constant 0 : i32
      %dma_wait3A_386 = tpu.memref_slice %arg4[%add3A_304, %dma_wait3A_385] : memref<16384x768xf32, #tpu.memory_space<hbm>> -> memref<32x768xf32, #tpu.memory_space<hbm>>
      %dma_wait3A_387 = arith.constant 0 : i32
      %dma_wait3A_388 = tpu.memref_slice %arg4[%add3A_304, %dma_wait3A_387] : memref<16384x768xf32, #tpu.memory_space<hbm>> -> memref<32x768xf32, #tpu.memory_space<hbm>>
      %dma_wait3A_389 = arith.constant 0 : i32
      %dma_wait3A_390 = arith.constant 0 : i32
      %dma_wait3A_391 = tpu.memref_slice %arg6[%run_scoped3A_305, %dma_wait3A_389, %dma_wait3A_390] : memref<4x32x768xf32, #tpu.memory_space<vmem>> -> memref<1x32x768xf32, #tpu.memory_space<vmem>>
      %dma_wait3A_392 = tpu.memref_squeeze %dma_wait3A_391 : memref<1x32x768xf32, #tpu.memory_space<vmem>> -> memref<32x768xf32, #tpu.memory_space<vmem>>
      tpu.wait_dma2 semaphore(%run_scoped3A_368 : memref<!tpu.dma_semaphore, #tpu.memory_space<semaphore_mem>>) src(%dma_wait3A_392 : memref<32x768xf32, #tpu.memory_space<vmem>>) dst(%dma_wait3A_388 : memref<32x768xf32, #tpu.memory_space<hbm>>)
      tpu.yield
    }) : () -> ()
    %dma_start3A_306 = arith.constant 3 : i32
    %dma_start3A_307 = arith.constant 0 : i32
    %dma_start3A_308 = arith.constant 0 : i32
    %dma_start3A_309 = tpu.memref_slice %arg6[%dma_start3A_306, %dma_start3A_307, %dma_start3A_308] : memref<4x32x768xf32, #tpu.memory_space<vmem>> -> memref<1x32x768xf32, #tpu.memory_space<vmem>>
    %dma_start3A_310 = tpu.memref_squeeze %dma_start3A_309 : memref<1x32x768xf32, #tpu.memory_space<vmem>> -> memref<32x768xf32, #tpu.memory_space<vmem>>
    %dma_start3A_311 = arith.constant 480 : i32
    %dma_start3A_312 = tpu.memref_slice %arg5[%dma_start3A_311] : memref<512xi32, #tpu.memory_space<vmem>> -> memref<32xi32, #tpu.memory_space<vmem>>
    %dma_start3A_313 = arith.constant 0 : i32
    %dma_start3A_314 = arith.constant 0 : i32
    %dma_start3A_315 = tpu.memref_slice %arg3[%dma_start3A_313, %dma_start3A_314] : memref<100000x768xf32, #tpu.memory_space<hbm>> -> memref<100000x768xf32, #tpu.memory_space<hbm>>
    tpu.enqueue_indirect_dma source(%dma_start3A_315 : memref<100000x768xf32, #tpu.memory_space<hbm>>) target(%dma_start3A_310 : memref<32x768xf32, #tpu.memory_space<vmem>>) offsets(%dma_start3A_312 : memref<32xi32, #tpu.memory_space<vmem>>) semaphore(%arg10 : memref<!tpu.dma_semaphore, #tpu.memory_space<semaphore_mem>>)
    %dma_wait3A_316 = arith.constant 0 : i32
    %dma_wait3A_317 = arith.constant 0 : i32
    %dma_wait3A_318 = arith.constant 0 : i32
    %dma_wait3A_319 = tpu.memref_slice %arg6[%dma_wait3A_316, %dma_wait3A_317, %dma_wait3A_318] : memref<4x32x768xf32, #tpu.memory_space<vmem>> -> memref<1x32x768xf32, #tpu.memory_space<vmem>>
    %dma_wait3A_320 = tpu.memref_squeeze %dma_wait3A_319 : memref<1x32x768xf32, #tpu.memory_space<vmem>> -> memref<32x768xf32, #tpu.memory_space<vmem>>
    %dma_wait3A_321 = arith.constant 384 : i32
    %dma_wait3A_322 = tpu.memref_slice %arg5[%dma_wait3A_321] : memref<512xi32, #tpu.memory_space<vmem>> -> memref<32xi32, #tpu.memory_space<vmem>>
    %dma_wait3A_323 = arith.constant 0 : i32
    %dma_wait3A_324 = arith.constant 0 : i32
    %dma_wait3A_325 = tpu.memref_slice %arg3[%dma_wait3A_323, %dma_wait3A_324] : memref<100000x768xf32, #tpu.memory_space<hbm>> -> memref<100000x768xf32, #tpu.memory_space<hbm>>
    tpu.wait_indirect_dma semaphore(%arg7 : memref<!tpu.dma_semaphore, #tpu.memory_space<semaphore_mem>>) src(%dma_wait3A_325 : memref<100000x768xf32, #tpu.memory_space<hbm>>) dst(%dma_wait3A_320 : memref<32x768xf32, #tpu.memory_space<vmem>>)
    %add3A_326 = arith.constant 384 : i32
    %add3A_327 = arith.addi %mul3A_2, %add3A_326 : i32
    %run_scoped3A_328 = arith.constant 0 : i32
    "tpu.region"() ({
      %run_scoped3A_368 = tpu.sem_alloc : memref<!tpu.dma_semaphore, #tpu.memory_space<semaphore_mem>>
      %dma_start3A_369 = arith.constant 0 : i32
      %dma_start3A_370 = arith.constant 0 : i32
      %dma_start3A_371 = tpu.memref_slice %arg6[%run_scoped3A_328, %dma_start3A_369, %dma_start3A_370] : memref<4x32x768xf32, #tpu.memory_space<vmem>> -> memref<1x32x768xf32, #tpu.memory_space<vmem>>
      %dma_start3A_372 = tpu.memref_squeeze %dma_start3A_371 : memref<1x32x768xf32, #tpu.memory_space<vmem>> -> memref<32x768xf32, #tpu.memory_space<vmem>>
      %dma_start3A_373 = arith.constant 0 : i32
      %dma_start3A_374 = tpu.memref_slice %arg4[%add3A_327, %dma_start3A_373] : memref<16384x768xf32, #tpu.memory_space<hbm>> -> memref<32x768xf32, #tpu.memory_space<hbm>>
      %dma_start3A_375 = arith.constant 0 : i32
      %dma_start3A_376 = tpu.memref_slice %arg4[%add3A_327, %dma_start3A_375] : memref<16384x768xf32, #tpu.memory_space<hbm>> -> memref<32x768xf32, #tpu.memory_space<hbm>>
      %dma_start3A_377 = arith.constant 0 : i32
      %dma_start3A_378 = arith.constant 0 : i32
      %dma_start3A_379 = tpu.memref_slice %arg6[%run_scoped3A_328, %dma_start3A_377, %dma_start3A_378] : memref<4x32x768xf32, #tpu.memory_space<vmem>> -> memref<1x32x768xf32, #tpu.memory_space<vmem>>
      %dma_start3A_380 = tpu.memref_squeeze %dma_start3A_379 : memref<1x32x768xf32, #tpu.memory_space<vmem>> -> memref<32x768xf32, #tpu.memory_space<vmem>>
      tpu.enqueue_dma source(%dma_start3A_380 : memref<32x768xf32, #tpu.memory_space<vmem>>) target(%dma_start3A_376 : memref<32x768xf32, #tpu.memory_space<hbm>>) target_semaphore(%run_scoped3A_368 : memref<!tpu.dma_semaphore, #tpu.memory_space<semaphore_mem>>)
      %dma_wait3A_381 = arith.constant 0 : i32
      %dma_wait3A_382 = arith.constant 0 : i32
      %dma_wait3A_383 = tpu.memref_slice %arg6[%run_scoped3A_328, %dma_wait3A_381, %dma_wait3A_382] : memref<4x32x768xf32, #tpu.memory_space<vmem>> -> memref<1x32x768xf32, #tpu.memory_space<vmem>>
      %dma_wait3A_384 = tpu.memref_squeeze %dma_wait3A_383 : memref<1x32x768xf32, #tpu.memory_space<vmem>> -> memref<32x768xf32, #tpu.memory_space<vmem>>
      %dma_wait3A_385 = arith.constant 0 : i32
      %dma_wait3A_386 = tpu.memref_slice %arg4[%add3A_327, %dma_wait3A_385] : memref<16384x768xf32, #tpu.memory_space<hbm>> -> memref<32x768xf32, #tpu.memory_space<hbm>>
      %dma_wait3A_387 = arith.constant 0 : i32
      %dma_wait3A_388 = tpu.memref_slice %arg4[%add3A_327, %dma_wait3A_387] : memref<16384x768xf32, #tpu.memory_space<hbm>> -> memref<32x768xf32, #tpu.memory_space<hbm>>
      %dma_wait3A_389 = arith.constant 0 : i32
      %dma_wait3A_390 = arith.constant 0 : i32
      %dma_wait3A_391 = tpu.memref_slice %arg6[%run_scoped3A_328, %dma_wait3A_389, %dma_wait3A_390] : memref<4x32x768xf32, #tpu.memory_space<vmem>> -> memref<1x32x768xf32, #tpu.memory_space<vmem>>
      %dma_wait3A_392 = tpu.memref_squeeze %dma_wait3A_391 : memref<1x32x768xf32, #tpu.memory_space<vmem>> -> memref<32x768xf32, #tpu.memory_space<vmem>>
      tpu.wait_dma2 semaphore(%run_scoped3A_368 : memref<!tpu.dma_semaphore, #tpu.memory_space<semaphore_mem>>) src(%dma_wait3A_392 : memref<32x768xf32, #tpu.memory_space<vmem>>) dst(%dma_wait3A_388 : memref<32x768xf32, #tpu.memory_space<hbm>>)
      tpu.yield
    }) : () -> ()
    %dma_wait3A_329 = arith.constant 1 : i32
    %dma_wait3A_330 = arith.constant 0 : i32
    %dma_wait3A_331 = arith.constant 0 : i32
    %dma_wait3A_332 = tpu.memref_slice %arg6[%dma_wait3A_329, %dma_wait3A_330, %dma_wait3A_331] : memref<4x32x768xf32, #tpu.memory_space<vmem>> -> memref<1x32x768xf32, #tpu.memory_space<vmem>>
    %dma_wait3A_333 = tpu.memref_squeeze %dma_wait3A_332 : memref<1x32x768xf32, #tpu.memory_space<vmem>> -> memref<32x768xf32, #tpu.memory_space<vmem>>
    %dma_wait3A_334 = arith.constant 416 : i32
    %dma_wait3A_335 = tpu.memref_slice %arg5[%dma_wait3A_334] : memref<512xi32, #tpu.memory_space<vmem>> -> memref<32xi32, #tpu.memory_space<vmem>>
    %dma_wait3A_336 = arith.constant 0 : i32
    %dma_wait3A_337 = arith.constant 0 : i32
    %dma_wait3A_338 = tpu.memref_slice %arg3[%dma_wait3A_336, %dma_wait3A_337] : memref<100000x768xf32, #tpu.memory_space<hbm>> -> memref<100000x768xf32, #tpu.memory_space<hbm>>
    tpu.wait_indirect_dma semaphore(%arg8 : memref<!tpu.dma_semaphore, #tpu.memory_space<semaphore_mem>>) src(%dma_wait3A_338 : memref<100000x768xf32, #tpu.memory_space<hbm>>) dst(%dma_wait3A_333 : memref<32x768xf32, #tpu.memory_space<vmem>>)
    %add3A_339 = arith.constant 416 : i32
    %add3A_340 = arith.addi %mul3A_2, %add3A_339 : i32
    %run_scoped3A_341 = arith.constant 1 : i32
    "tpu.region"() ({
      %run_scoped3A_368 = tpu.sem_alloc : memref<!tpu.dma_semaphore, #tpu.memory_space<semaphore_mem>>
      %dma_start3A_369 = arith.constant 0 : i32
      %dma_start3A_370 = arith.constant 0 : i32
      %dma_start3A_371 = tpu.memref_slice %arg6[%run_scoped3A_341, %dma_start3A_369, %dma_start3A_370] : memref<4x32x768xf32, #tpu.memory_space<vmem>> -> memref<1x32x768xf32, #tpu.memory_space<vmem>>
      %dma_start3A_372 = tpu.memref_squeeze %dma_start3A_371 : memref<1x32x768xf32, #tpu.memory_space<vmem>> -> memref<32x768xf32, #tpu.memory_space<vmem>>
      %dma_start3A_373 = arith.constant 0 : i32
      %dma_start3A_374 = tpu.memref_slice %arg4[%add3A_340, %dma_start3A_373] : memref<16384x768xf32, #tpu.memory_space<hbm>> -> memref<32x768xf32, #tpu.memory_space<hbm>>
      %dma_start3A_375 = arith.constant 0 : i32
      %dma_start3A_376 = tpu.memref_slice %arg4[%add3A_340, %dma_start3A_375] : memref<16384x768xf32, #tpu.memory_space<hbm>> -> memref<32x768xf32, #tpu.memory_space<hbm>>
      %dma_start3A_377 = arith.constant 0 : i32
      %dma_start3A_378 = arith.constant 0 : i32
      %dma_start3A_379 = tpu.memref_slice %arg6[%run_scoped3A_341, %dma_start3A_377, %dma_start3A_378] : memref<4x32x768xf32, #tpu.memory_space<vmem>> -> memref<1x32x768xf32, #tpu.memory_space<vmem>>
      %dma_start3A_380 = tpu.memref_squeeze %dma_start3A_379 : memref<1x32x768xf32, #tpu.memory_space<vmem>> -> memref<32x768xf32, #tpu.memory_space<vmem>>
      tpu.enqueue_dma source(%dma_start3A_380 : memref<32x768xf32, #tpu.memory_space<vmem>>) target(%dma_start3A_376 : memref<32x768xf32, #tpu.memory_space<hbm>>) target_semaphore(%run_scoped3A_368 : memref<!tpu.dma_semaphore, #tpu.memory_space<semaphore_mem>>)
      %dma_wait3A_381 = arith.constant 0 : i32
      %dma_wait3A_382 = arith.constant 0 : i32
      %dma_wait3A_383 = tpu.memref_slice %arg6[%run_scoped3A_341, %dma_wait3A_381, %dma_wait3A_382] : memref<4x32x768xf32, #tpu.memory_space<vmem>> -> memref<1x32x768xf32, #tpu.memory_space<vmem>>
      %dma_wait3A_384 = tpu.memref_squeeze %dma_wait3A_383 : memref<1x32x768xf32, #tpu.memory_space<vmem>> -> memref<32x768xf32, #tpu.memory_space<vmem>>
      %dma_wait3A_385 = arith.constant 0 : i32
      %dma_wait3A_386 = tpu.memref_slice %arg4[%add3A_340, %dma_wait3A_385] : memref<16384x768xf32, #tpu.memory_space<hbm>> -> memref<32x768xf32, #tpu.memory_space<hbm>>
      %dma_wait3A_387 = arith.constant 0 : i32
      %dma_wait3A_388 = tpu.memref_slice %arg4[%add3A_340, %dma_wait3A_387] : memref<16384x768xf32, #tpu.memory_space<hbm>> -> memref<32x768xf32, #tpu.memory_space<hbm>>
      %dma_wait3A_389 = arith.constant 0 : i32
      %dma_wait3A_390 = arith.constant 0 : i32
      %dma_wait3A_391 = tpu.memref_slice %arg6[%run_scoped3A_341, %dma_wait3A_389, %dma_wait3A_390] : memref<4x32x768xf32, #tpu.memory_space<vmem>> -> memref<1x32x768xf32, #tpu.memory_space<vmem>>
      %dma_wait3A_392 = tpu.memref_squeeze %dma_wait3A_391 : memref<1x32x768xf32, #tpu.memory_space<vmem>> -> memref<32x768xf32, #tpu.memory_space<vmem>>
      tpu.wait_dma2 semaphore(%run_scoped3A_368 : memref<!tpu.dma_semaphore, #tpu.memory_space<semaphore_mem>>) src(%dma_wait3A_392 : memref<32x768xf32, #tpu.memory_space<vmem>>) dst(%dma_wait3A_388 : memref<32x768xf32, #tpu.memory_space<hbm>>)
      tpu.yield
    }) : () -> ()
    %dma_wait3A_342 = arith.constant 2 : i32
    %dma_wait3A_343 = arith.constant 0 : i32
    %dma_wait3A_344 = arith.constant 0 : i32
    %dma_wait3A_345 = tpu.memref_slice %arg6[%dma_wait3A_342, %dma_wait3A_343, %dma_wait3A_344] : memref<4x32x768xf32, #tpu.memory_space<vmem>> -> memref<1x32x768xf32, #tpu.memory_space<vmem>>
    %dma_wait3A_346 = tpu.memref_squeeze %dma_wait3A_345 : memref<1x32x768xf32, #tpu.memory_space<vmem>> -> memref<32x768xf32, #tpu.memory_space<vmem>>
    %dma_wait3A_347 = arith.constant 448 : i32
    %dma_wait3A_348 = tpu.memref_slice %arg5[%dma_wait3A_347] : memref<512xi32, #tpu.memory_space<vmem>> -> memref<32xi32, #tpu.memory_space<vmem>>
    %dma_wait3A_349 = arith.constant 0 : i32
    %dma_wait3A_350 = arith.constant 0 : i32
    %dma_wait3A_351 = tpu.memref_slice %arg3[%dma_wait3A_349, %dma_wait3A_350] : memref<100000x768xf32, #tpu.memory_space<hbm>> -> memref<100000x768xf32, #tpu.memory_space<hbm>>
    tpu.wait_indirect_dma semaphore(%arg9 : memref<!tpu.dma_semaphore, #tpu.memory_space<semaphore_mem>>) src(%dma_wait3A_351 : memref<100000x768xf32, #tpu.memory_space<hbm>>) dst(%dma_wait3A_346 : memref<32x768xf32, #tpu.memory_space<vmem>>)
    %add3A_352 = arith.constant 448 : i32
    %add3A_353 = arith.addi %mul3A_2, %add3A_352 : i32
    %run_scoped3A_354 = arith.constant 2 : i32
    "tpu.region"() ({
      %run_scoped3A_368 = tpu.sem_alloc : memref<!tpu.dma_semaphore, #tpu.memory_space<semaphore_mem>>
      %dma_start3A_369 = arith.constant 0 : i32
      %dma_start3A_370 = arith.constant 0 : i32
      %dma_start3A_371 = tpu.memref_slice %arg6[%run_scoped3A_354, %dma_start3A_369, %dma_start3A_370] : memref<4x32x768xf32, #tpu.memory_space<vmem>> -> memref<1x32x768xf32, #tpu.memory_space<vmem>>
      %dma_start3A_372 = tpu.memref_squeeze %dma_start3A_371 : memref<1x32x768xf32, #tpu.memory_space<vmem>> -> memref<32x768xf32, #tpu.memory_space<vmem>>
      %dma_start3A_373 = arith.constant 0 : i32
      %dma_start3A_374 = tpu.memref_slice %arg4[%add3A_353, %dma_start3A_373] : memref<16384x768xf32, #tpu.memory_space<hbm>> -> memref<32x768xf32, #tpu.memory_space<hbm>>
      %dma_start3A_375 = arith.constant 0 : i32
      %dma_start3A_376 = tpu.memref_slice %arg4[%add3A_353, %dma_start3A_375] : memref<16384x768xf32, #tpu.memory_space<hbm>> -> memref<32x768xf32, #tpu.memory_space<hbm>>
      %dma_start3A_377 = arith.constant 0 : i32
      %dma_start3A_378 = arith.constant 0 : i32
      %dma_start3A_379 = tpu.memref_slice %arg6[%run_scoped3A_354, %dma_start3A_377, %dma_start3A_378] : memref<4x32x768xf32, #tpu.memory_space<vmem>> -> memref<1x32x768xf32, #tpu.memory_space<vmem>>
      %dma_start3A_380 = tpu.memref_squeeze %dma_start3A_379 : memref<1x32x768xf32, #tpu.memory_space<vmem>> -> memref<32x768xf32, #tpu.memory_space<vmem>>
      tpu.enqueue_dma source(%dma_start3A_380 : memref<32x768xf32, #tpu.memory_space<vmem>>) target(%dma_start3A_376 : memref<32x768xf32, #tpu.memory_space<hbm>>) target_semaphore(%run_scoped3A_368 : memref<!tpu.dma_semaphore, #tpu.memory_space<semaphore_mem>>)
      %dma_wait3A_381 = arith.constant 0 : i32
      %dma_wait3A_382 = arith.constant 0 : i32
      %dma_wait3A_383 = tpu.memref_slice %arg6[%run_scoped3A_354, %dma_wait3A_381, %dma_wait3A_382] : memref<4x32x768xf32, #tpu.memory_space<vmem>> -> memref<1x32x768xf32, #tpu.memory_space<vmem>>
      %dma_wait3A_384 = tpu.memref_squeeze %dma_wait3A_383 : memref<1x32x768xf32, #tpu.memory_space<vmem>> -> memref<32x768xf32, #tpu.memory_space<vmem>>
      %dma_wait3A_385 = arith.constant 0 : i32
      %dma_wait3A_386 = tpu.memref_slice %arg4[%add3A_353, %dma_wait3A_385] : memref<16384x768xf32, #tpu.memory_space<hbm>> -> memref<32x768xf32, #tpu.memory_space<hbm>>
      %dma_wait3A_387 = arith.constant 0 : i32
      %dma_wait3A_388 = tpu.memref_slice %arg4[%add3A_353, %dma_wait3A_387] : memref<16384x768xf32, #tpu.memory_space<hbm>> -> memref<32x768xf32, #tpu.memory_space<hbm>>
      %dma_wait3A_389 = arith.constant 0 : i32
      %dma_wait3A_390 = arith.constant 0 : i32
      %dma_wait3A_391 = tpu.memref_slice %arg6[%run_scoped3A_354, %dma_wait3A_389, %dma_wait3A_390] : memref<4x32x768xf32, #tpu.memory_space<vmem>> -> memref<1x32x768xf32, #tpu.memory_space<vmem>>
      %dma_wait3A_392 = tpu.memref_squeeze %dma_wait3A_391 : memref<1x32x768xf32, #tpu.memory_space<vmem>> -> memref<32x768xf32, #tpu.memory_space<vmem>>
      tpu.wait_dma2 semaphore(%run_scoped3A_368 : memref<!tpu.dma_semaphore, #tpu.memory_space<semaphore_mem>>) src(%dma_wait3A_392 : memref<32x768xf32, #tpu.memory_space<vmem>>) dst(%dma_wait3A_388 : memref<32x768xf32, #tpu.memory_space<hbm>>)
      tpu.yield
    }) : () -> ()
    %dma_wait3A_355 = arith.constant 3 : i32
    %dma_wait3A_356 = arith.constant 0 : i32
    %dma_wait3A_357 = arith.constant 0 : i32
    %dma_wait3A_358 = tpu.memref_slice %arg6[%dma_wait3A_355, %dma_wait3A_356, %dma_wait3A_357] : memref<4x32x768xf32, #tpu.memory_space<vmem>> -> memref<1x32x768xf32, #tpu.memory_space<vmem>>
    %dma_wait3A_359 = tpu.memref_squeeze %dma_wait3A_358 : memref<1x32x768xf32, #tpu.memory_space<vmem>> -> memref<32x768xf32, #tpu.memory_space<vmem>>
    %dma_wait3A_360 = arith.constant 480 : i32
    %dma_wait3A_361 = tpu.memref_slice %arg5[%dma_wait3A_360] : memref<512xi32, #tpu.memory_space<vmem>> -> memref<32xi32, #tpu.memory_space<vmem>>
    %dma_wait3A_362 = arith.constant 0 : i32
    %dma_wait3A_363 = arith.constant 0 : i32
    %dma_wait3A_364 = tpu.memref_slice %arg3[%dma_wait3A_362, %dma_wait3A_363] : memref<100000x768xf32, #tpu.memory_space<hbm>> -> memref<100000x768xf32, #tpu.memory_space<hbm>>
    tpu.wait_indirect_dma semaphore(%arg10 : memref<!tpu.dma_semaphore, #tpu.memory_space<semaphore_mem>>) src(%dma_wait3A_364 : memref<100000x768xf32, #tpu.memory_space<hbm>>) dst(%dma_wait3A_359 : memref<32x768xf32, #tpu.memory_space<vmem>>)
    %add3A_365 = arith.constant 480 : i32
    %add3A_366 = arith.addi %mul3A_2, %add3A_365 : i32
    %run_scoped3A_367 = arith.constant 3 : i32
    "tpu.region"() ({
      %run_scoped3A_368 = tpu.sem_alloc : memref<!tpu.dma_semaphore, #tpu.memory_space<semaphore_mem>>
      %dma_start3A_369 = arith.constant 0 : i32
      %dma_start3A_370 = arith.constant 0 : i32
      %dma_start3A_371 = tpu.memref_slice %arg6[%run_scoped3A_367, %dma_start3A_369, %dma_start3A_370] : memref<4x32x768xf32, #tpu.memory_space<vmem>> -> memref<1x32x768xf32, #tpu.memory_space<vmem>>
      %dma_start3A_372 = tpu.memref_squeeze %dma_start3A_371 : memref<1x32x768xf32, #tpu.memory_space<vmem>> -> memref<32x768xf32, #tpu.memory_space<vmem>>
      %dma_start3A_373 = arith.constant 0 : i32
      %dma_start3A_374 = tpu.memref_slice %arg4[%add3A_366, %dma_start3A_373] : memref<16384x768xf32, #tpu.memory_space<hbm>> -> memref<32x768xf32, #tpu.memory_space<hbm>>
      %dma_start3A_375 = arith.constant 0 : i32
      %dma_start3A_376 = tpu.memref_slice %arg4[%add3A_366, %dma_start3A_375] : memref<16384x768xf32, #tpu.memory_space<hbm>> -> memref<32x768xf32, #tpu.memory_space<hbm>>
      %dma_start3A_377 = arith.constant 0 : i32
      %dma_start3A_378 = arith.constant 0 : i32
      %dma_start3A_379 = tpu.memref_slice %arg6[%run_scoped3A_367, %dma_start3A_377, %dma_start3A_378] : memref<4x32x768xf32, #tpu.memory_space<vmem>> -> memref<1x32x768xf32, #tpu.memory_space<vmem>>
      %dma_start3A_380 = tpu.memref_squeeze %dma_start3A_379 : memref<1x32x768xf32, #tpu.memory_space<vmem>> -> memref<32x768xf32, #tpu.memory_space<vmem>>
      tpu.enqueue_dma source(%dma_start3A_380 : memref<32x768xf32, #tpu.memory_space<vmem>>) target(%dma_start3A_376 : memref<32x768xf32, #tpu.memory_space<hbm>>) target_semaphore(%run_scoped3A_368 : memref<!tpu.dma_semaphore, #tpu.memory_space<semaphore_mem>>)
      %dma_wait3A_381 = arith.constant 0 : i32
      %dma_wait3A_382 = arith.constant 0 : i32
      %dma_wait3A_383 = tpu.memref_slice %arg6[%run_scoped3A_367, %dma_wait3A_381, %dma_wait3A_382] : memref<4x32x768xf32, #tpu.memory_space<vmem>> -> memref<1x32x768xf32, #tpu.memory_space<vmem>>
      %dma_wait3A_384 = tpu.memref_squeeze %dma_wait3A_383 : memref<1x32x768xf32, #tpu.memory_space<vmem>> -> memref<32x768xf32, #tpu.memory_space<vmem>>
      %dma_wait3A_385 = arith.constant 0 : i32
      %dma_wait3A_386 = tpu.memref_slice %arg4[%add3A_366, %dma_wait3A_385] : memref<16384x768xf32, #tpu.memory_space<hbm>> -> memref<32x768xf32, #tpu.memory_space<hbm>>
      %dma_wait3A_387 = arith.constant 0 : i32
      %dma_wait3A_388 = tpu.memref_slice %arg4[%add3A_366, %dma_wait3A_387] : memref<16384x768xf32, #tpu.memory_space<hbm>> -> memref<32x768xf32, #tpu.memory_space<hbm>>
      %dma_wait3A_389 = arith.constant 0 : i32
      %dma_wait3A_390 = arith.constant 0 : i32
      %dma_wait3A_391 = tpu.memref_slice %arg6[%run_scoped3A_367, %dma_wait3A_389, %dma_wait3A_390] : memref<4x32x768xf32, #tpu.memory_space<vmem>> -> memref<1x32x768xf32, #tpu.memory_space<vmem>>
      %dma_wait3A_392 = tpu.memref_squeeze %dma_wait3A_391 : memref<1x32x768xf32, #tpu.memory_space<vmem>> -> memref<32x768xf32, #tpu.memory_space<vmem>>
      tpu.wait_dma2 semaphore(%run_scoped3A_368 : memref<!tpu.dma_semaphore, #tpu.memory_space<semaphore_mem>>) src(%dma_wait3A_392 : memref<32x768xf32, #tpu.memory_space<vmem>>) dst(%dma_wait3A_388 : memref<32x768xf32, #tpu.memory_space<hbm>>)
      tpu.yield
    }) : () -> ()
    return
  }
}

module attributes {stable_mosaic.version = 14 : i64} {
  func.func @_ln_body(%arg0: i32, %arg1: memref<2048x768xf32, #tpu.memory_space<vmem>>, %arg2: memref<2048x768xf32, #tpu.memory_space<vmem>>, %arg3: memref<1x1x2048xi32, #tpu.memory_space<vmem>>, %arg4: memref<2x768xf32, #tpu.memory_space<vmem>>, %arg5: memref<1x768xf32, #tpu.memory_space<vmem>>, %arg6: memref<1x768xf32, #tpu.memory_space<vmem>>, %arg7: memref<2048x768xf32, #tpu.memory_space<vmem>>) attributes {dimension_semantics = [#tpu.dimension_semantics<arbitrary>], iteration_bounds = array<i64: 8>, scalar_prefetch = 0 : i64, scratch_operands = 0 : i64, tpu.core_type = #tpu.core_type<tc>, window_params = [{transform_indices = @transform_0, window_bounds = array<i64: 2048, 768>}, {transform_indices = @transform_1, window_bounds = array<i64: 2048, 768>}, {transform_indices = @transform_2, window_bounds = array<i64: 1, 1, 2048>}, {pipeline_mode = #tpu.pipeline_mode<synchronous>, transform_indices = @transform_3, window_bounds = array<i64: 2, 768>}, {pipeline_mode = #tpu.pipeline_mode<synchronous>, transform_indices = @transform_4, window_bounds = array<i64: 1, 768>}, {pipeline_mode = #tpu.pipeline_mode<synchronous>, transform_indices = @transform_5, window_bounds = array<i64: 1, 768>}, {transform_indices = @transform_6, window_bounds = array<i64: 2048, 768>}]} {
    %get3A = arith.constant 0 : index
    %get3A_0 = arith.constant 0 : index
    %get3A_1 = vector.load %arg1[%get3A, %get3A_0] : memref<2048x768xf32, #tpu.memory_space<vmem>>, vector<2048x768xf32>
    %mul3A = arith.constant 27.7128124 : f32
    %mul3A_2 = vector.broadcast %mul3A : f32 to vector<2048x768xf32>
    %mul3A_3 = arith.mulf %get3A_1, %mul3A_2 : vector<2048x768xf32>
    %get3A_4 = arith.constant 0 : index
    %get3A_5 = arith.constant 0 : index
    %get3A_6 = vector.load %arg2[%get3A_4, %get3A_5] : memref<2048x768xf32, #tpu.memory_space<vmem>>, vector<2048x768xf32>
    %add3A = arith.addf %mul3A_3, %get3A_6 : vector<2048x768xf32>
    %get3A_7 = arith.constant 0 : index
    %get3A_8 = arith.constant 0 : index
    %get3A_9 = arith.constant 0 : index
    %get3A_10 = vector.load %arg3[%get3A_7, %get3A_8, %get3A_9] : memref<1x1x2048xi32, #tpu.memory_space<vmem>>, vector<1x1x2048xi32>
    %get3A_11 = vector.shape_cast %get3A_10 : vector<1x1x2048xi32> to vector<2048xi32>
    %convert_element_type3A = arith.sitofp %get3A_11 : vector<2048xi32> to vector<2048xf32>
    %broadcast_in_dim3A = vector.shape_cast %convert_element_type3A : vector<2048xf32> to vector<2048x1xf32>
    %get3A_12 = arith.constant 0 : index
    %get3A_13 = arith.constant 0 : index
    %get3A_14 = vector.load %arg4[%get3A_12, %get3A_13] : memref<2x768xf32, #tpu.memory_space<vmem>>, vector<1x768xf32>
    %add3A_15 = vector.broadcast %get3A_14 : vector<1x768xf32> to vector<2048x768xf32>
    %add3A_16 = arith.addf %add3A, %add3A_15 : vector<2048x768xf32>
    %get3A_17 = arith.constant 1 : index
    %get3A_18 = arith.constant 0 : index
    %get3A_19 = vector.load %arg4[%get3A_17, %get3A_18] : memref<2x768xf32, #tpu.memory_space<vmem>>, vector<1x768xf32>
    %get3A_20 = arith.constant 0 : index
    %get3A_21 = arith.constant 0 : index
    %get3A_22 = vector.load %arg4[%get3A_20, %get3A_21] : memref<2x768xf32, #tpu.memory_space<vmem>>, vector<1x768xf32>
    %sub3A = arith.subf %get3A_19, %get3A_22 : vector<1x768xf32>
    %mul3A_23 = vector.broadcast %broadcast_in_dim3A : vector<2048x1xf32> to vector<2048x768xf32>
    %mul3A_24 = vector.broadcast %sub3A : vector<1x768xf32> to vector<2048x768xf32>
    %mul3A_25 = arith.mulf %mul3A_23, %mul3A_24 : vector<2048x768xf32>
    %add3A_26 = arith.addf %add3A_16, %mul3A_25 : vector<2048x768xf32>
    %reduce_sum3A = arith.constant dense<0.000000e+00> : vector<2048xf32>
    %reduce_sum3A_27 = vector.multi_reduction <add>, %add3A_26, %reduce_sum3A [1] : vector<2048x768xf32> to vector<2048xf32>
    %broadcast_in_dim3A_28 = vector.shape_cast %reduce_sum3A_27 : vector<2048xf32> to vector<2048x1xf32>
    %div3A = arith.constant 7.680000e+02 : f32
    %div3A_29 = vector.broadcast %div3A : f32 to vector<2048x1xf32>
    %div3A_30 = arith.divf %broadcast_in_dim3A_28, %div3A_29 : vector<2048x1xf32>
    %mul3A_31 = arith.mulf %add3A_26, %add3A_26 : vector<2048x768xf32>
    %reduce_sum3A_32 = arith.constant dense<0.000000e+00> : vector<2048xf32>
    %reduce_sum3A_33 = vector.multi_reduction <add>, %mul3A_31, %reduce_sum3A_32 [1] : vector<2048x768xf32> to vector<2048xf32>
    %broadcast_in_dim3A_34 = vector.shape_cast %reduce_sum3A_33 : vector<2048xf32> to vector<2048x1xf32>
    %div3A_35 = arith.constant 7.680000e+02 : f32
    %div3A_36 = vector.broadcast %div3A_35 : f32 to vector<2048x1xf32>
    %div3A_37 = arith.divf %broadcast_in_dim3A_34, %div3A_36 : vector<2048x1xf32>
    %mul3A_38 = arith.mulf %div3A_30, %div3A_30 : vector<2048x1xf32>
    %sub3A_39 = arith.subf %div3A_37, %mul3A_38 : vector<2048x1xf32>
    %sub3A_40 = vector.broadcast %div3A_30 : vector<2048x1xf32> to vector<2048x768xf32>
    %sub3A_41 = arith.subf %add3A_26, %sub3A_40 : vector<2048x768xf32>
    %add3A_42 = arith.constant 9.99999974E-6 : f32
    %add3A_43 = vector.broadcast %add3A_42 : f32 to vector<2048x1xf32>
    %add3A_44 = arith.addf %sub3A_39, %add3A_43 : vector<2048x1xf32>
    %rsqrt3A = math.rsqrt %add3A_44 : vector<2048x1xf32>
    %mul3A_45 = vector.broadcast %rsqrt3A : vector<2048x1xf32> to vector<2048x768xf32>
    %mul3A_46 = arith.mulf %sub3A_41, %mul3A_45 : vector<2048x768xf32>
    %get3A_47 = arith.constant 0 : index
    %get3A_48 = arith.constant 0 : index
    %get3A_49 = vector.load %arg5[%get3A_47, %get3A_48] : memref<1x768xf32, #tpu.memory_space<vmem>>, vector<1x768xf32>
    %mul3A_50 = vector.broadcast %get3A_49 : vector<1x768xf32> to vector<2048x768xf32>
    %mul3A_51 = arith.mulf %mul3A_46, %mul3A_50 : vector<2048x768xf32>
    %get3A_52 = arith.constant 0 : index
    %get3A_53 = arith.constant 0 : index
    %get3A_54 = vector.load %arg6[%get3A_52, %get3A_53] : memref<1x768xf32, #tpu.memory_space<vmem>>, vector<1x768xf32>
    %add3A_55 = vector.broadcast %get3A_54 : vector<1x768xf32> to vector<2048x768xf32>
    %add3A_56 = arith.addf %mul3A_51, %add3A_55 : vector<2048x768xf32>
    %swap3A = arith.constant 0 : index
    %swap3A_57 = arith.constant 0 : index
    %swap3A_58 = vector.load %arg7[%swap3A, %swap3A_57] : memref<2048x768xf32, #tpu.memory_space<vmem>>, vector<2048x768xf32>
    tpu.vector_store %arg7[%swap3A, %swap3A_57], %add3A_56 {strides = array<i32>} : memref<2048x768xf32, #tpu.memory_space<vmem>>, vector<2048x768xf32>,
    return
  }
  func.func @transform_0(%arg0: i32) -> (i32, i32) {
    %jit3A = arith.constant 4 : i32
    %eq3A = arith.constant 0 : i32
    %eq3A_0 = arith.cmpi eq, %jit3A, %eq3A : i32
    %jit3A_1 = arith.constant 1 : i32
    %select_n3A = arith.select %eq3A_0, %jit3A_1, %jit3A : i32
    %rem3A = arith.remsi %arg0, %select_n3A : i32
    %ne3A = arith.constant 0 : i32
    %ne3A_2 = arith.cmpi ne, %rem3A, %ne3A : i32
    %lt3A = arith.constant 0 : i32
    %lt3A_3 = arith.cmpi slt, %rem3A, %lt3A : i32
    %lt3A_4 = arith.constant 0 : i32
    %lt3A_5 = arith.cmpi slt, %select_n3A, %lt3A_4 : i32
    %ne3A_6 = arith.xori %lt3A_3, %lt3A_5 : i1
    %and3A = arith.andi %ne3A_6, %ne3A_2 : i1
    %add3A = arith.addi %rem3A, %select_n3A : i32
    %select_n3A_7 = arith.select %and3A, %add3A, %rem3A : i32
    %mul3A = arith.constant 2 : i32
    %mul3A_8 = arith.muli %select_n3A_7, %mul3A : i32
    %jit3A_9 = arith.constant 4 : i32
    %div3A = arith.divsi %arg0, %jit3A_9 : i32
    %sign3A = arith.constant 0 : i32
    %sign3A_10 = arith.cmpi sgt, %arg0, %sign3A : i32
    %sign3A_11 = arith.extui %sign3A_10 : i1 to i32
    %sign3A_12 = arith.constant 0 : i32
    %sign3A_13 = arith.cmpi slt, %arg0, %sign3A_12 : i32
    %sign3A_14 = arith.extui %sign3A_13 : i1 to i32
    %sign3A_15 = arith.subi %sign3A_11, %sign3A_14 : i32
    %sign3A_16 = arith.constant 0 : i32
    %sign3A_17 = arith.cmpi sgt, %jit3A_9, %sign3A_16 : i32
    %sign3A_18 = arith.extui %sign3A_17 : i1 to i32
    %sign3A_19 = arith.constant 0 : i32
    %sign3A_20 = arith.cmpi slt, %jit3A_9, %sign3A_19 : i32
    %sign3A_21 = arith.extui %sign3A_20 : i1 to i32
    %sign3A_22 = arith.subi %sign3A_18, %sign3A_21 : i32
    %ne3A_23 = arith.cmpi ne, %sign3A_15, %sign3A_22 : i32
    %rem3A_24 = arith.remsi %arg0, %jit3A_9 : i32
    %ne3A_25 = arith.constant 0 : i32
    %ne3A_26 = arith.cmpi ne, %rem3A_24, %ne3A_25 : i32
    %and3A_27 = arith.andi %ne3A_23, %ne3A_26 : i1
    %sub3A = arith.constant 1 : i32
    %sub3A_28 = arith.subi %div3A, %sub3A : i32
    %select_n3A_29 = arith.select %and3A_27, %sub3A_28, %div3A : i32
    %add3A_30 = arith.addi %mul3A_8, %select_n3A_29 : i32
    %c0_i32 = arith.constant 0 : i32
    %c0_i32_31 = arith.constant 0 : i32
    return %add3A_30, %c0_i32 : i32, i32
  }
  func.func @transform_1(%arg0: i32) -> (i32, i32) {
    %jit3A = arith.constant 4 : i32
    %div3A = arith.divsi %arg0, %jit3A : i32
    %sign3A = arith.constant 0 : i32
    %sign3A_0 = arith.cmpi sgt, %arg0, %sign3A : i32
    %sign3A_1 = arith.extui %sign3A_0 : i1 to i32
    %sign3A_2 = arith.constant 0 : i32
    %sign3A_3 = arith.cmpi slt, %arg0, %sign3A_2 : i32
    %sign3A_4 = arith.extui %sign3A_3 : i1 to i32
    %sign3A_5 = arith.subi %sign3A_1, %sign3A_4 : i32
    %sign3A_6 = arith.constant 0 : i32
    %sign3A_7 = arith.cmpi sgt, %jit3A, %sign3A_6 : i32
    %sign3A_8 = arith.extui %sign3A_7 : i1 to i32
    %sign3A_9 = arith.constant 0 : i32
    %sign3A_10 = arith.cmpi slt, %jit3A, %sign3A_9 : i32
    %sign3A_11 = arith.extui %sign3A_10 : i1 to i32
    %sign3A_12 = arith.subi %sign3A_8, %sign3A_11 : i32
    %ne3A = arith.cmpi ne, %sign3A_5, %sign3A_12 : i32
    %rem3A = arith.remsi %arg0, %jit3A : i32
    %ne3A_13 = arith.constant 0 : i32
    %ne3A_14 = arith.cmpi ne, %rem3A, %ne3A_13 : i32
    %and3A = arith.andi %ne3A, %ne3A_14 : i1
    %sub3A = arith.constant 1 : i32
    %sub3A_15 = arith.subi %div3A, %sub3A : i32
    %select_n3A = arith.select %and3A, %sub3A_15, %div3A : i32
    %c0_i32 = arith.constant 0 : i32
    %c0_i32_16 = arith.constant 0 : i32
    return %select_n3A, %c0_i32 : i32, i32
  }
  func.func @transform_2(%arg0: i32) -> (i32, i32, i32) {
    %jit3A = arith.constant 4 : i32
    %eq3A = arith.constant 0 : i32
    %eq3A_0 = arith.cmpi eq, %jit3A, %eq3A : i32
    %jit3A_1 = arith.constant 1 : i32
    %select_n3A = arith.select %eq3A_0, %jit3A_1, %jit3A : i32
    %rem3A = arith.remsi %arg0, %select_n3A : i32
    %ne3A = arith.constant 0 : i32
    %ne3A_2 = arith.cmpi ne, %rem3A, %ne3A : i32
    %lt3A = arith.constant 0 : i32
    %lt3A_3 = arith.cmpi slt, %rem3A, %lt3A : i32
    %lt3A_4 = arith.constant 0 : i32
    %lt3A_5 = arith.cmpi slt, %select_n3A, %lt3A_4 : i32
    %ne3A_6 = arith.xori %lt3A_3, %lt3A_5 : i1
    %and3A = arith.andi %ne3A_6, %ne3A_2 : i1
    %add3A = arith.addi %rem3A, %select_n3A : i32
    %select_n3A_7 = arith.select %and3A, %add3A, %rem3A : i32
    %mul3A = arith.constant 2 : i32
    %mul3A_8 = arith.muli %select_n3A_7, %mul3A : i32
    %jit3A_9 = arith.constant 4 : i32
    %div3A = arith.divsi %arg0, %jit3A_9 : i32
    %sign3A = arith.constant 0 : i32
    %sign3A_10 = arith.cmpi sgt, %arg0, %sign3A : i32
    %sign3A_11 = arith.extui %sign3A_10 : i1 to i32
    %sign3A_12 = arith.constant 0 : i32
    %sign3A_13 = arith.cmpi slt, %arg0, %sign3A_12 : i32
    %sign3A_14 = arith.extui %sign3A_13 : i1 to i32
    %sign3A_15 = arith.subi %sign3A_11, %sign3A_14 : i32
    %sign3A_16 = arith.constant 0 : i32
    %sign3A_17 = arith.cmpi sgt, %jit3A_9, %sign3A_16 : i32
    %sign3A_18 = arith.extui %sign3A_17 : i1 to i32
    %sign3A_19 = arith.constant 0 : i32
    %sign3A_20 = arith.cmpi slt, %jit3A_9, %sign3A_19 : i32
    %sign3A_21 = arith.extui %sign3A_20 : i1 to i32
    %sign3A_22 = arith.subi %sign3A_18, %sign3A_21 : i32
    %ne3A_23 = arith.cmpi ne, %sign3A_15, %sign3A_22 : i32
    %rem3A_24 = arith.remsi %arg0, %jit3A_9 : i32
    %ne3A_25 = arith.constant 0 : i32
    %ne3A_26 = arith.cmpi ne, %rem3A_24, %ne3A_25 : i32
    %and3A_27 = arith.andi %ne3A_23, %ne3A_26 : i1
    %sub3A = arith.constant 1 : i32
    %sub3A_28 = arith.subi %div3A, %sub3A : i32
    %select_n3A_29 = arith.select %and3A_27, %sub3A_28, %div3A : i32
    %add3A_30 = arith.addi %mul3A_8, %select_n3A_29 : i32
    %c0_i32 = arith.constant 0 : i32
    %c0_i32_31 = arith.constant 0 : i32
    %c0_i32_32 = arith.constant 0 : i32
    return %add3A_30, %c0_i32, %c0_i32_31 : i32, i32, i32
  }
  func.func @transform_3(%arg0: i32) -> (i32, i32) {
    %c0_i32 = arith.constant 0 : i32
    %c0_i32_0 = arith.constant 0 : i32
    %c0_i32_1 = arith.constant 0 : i32
    return %c0_i32, %c0_i32_0 : i32, i32
  }
  func.func @transform_4(%arg0: i32) -> (i32, i32) {
    %c0_i32 = arith.constant 0 : i32
    %c0_i32_0 = arith.constant 0 : i32
    %c0_i32_1 = arith.constant 0 : i32
    return %c0_i32, %c0_i32_0 : i32, i32
  }
  func.func @transform_5(%arg0: i32) -> (i32, i32) {
    %c0_i32 = arith.constant 0 : i32
    %c0_i32_0 = arith.constant 0 : i32
    %c0_i32_1 = arith.constant 0 : i32
    return %c0_i32, %c0_i32_0 : i32, i32
  }
  func.func @transform_6(%arg0: i32) -> (i32, i32) {
    %jit3A = arith.constant 4 : i32
    %eq3A = arith.constant 0 : i32
    %eq3A_0 = arith.cmpi eq, %jit3A, %eq3A : i32
    %jit3A_1 = arith.constant 1 : i32
    %select_n3A = arith.select %eq3A_0, %jit3A_1, %jit3A : i32
    %rem3A = arith.remsi %arg0, %select_n3A : i32
    %ne3A = arith.constant 0 : i32
    %ne3A_2 = arith.cmpi ne, %rem3A, %ne3A : i32
    %lt3A = arith.constant 0 : i32
    %lt3A_3 = arith.cmpi slt, %rem3A, %lt3A : i32
    %lt3A_4 = arith.constant 0 : i32
    %lt3A_5 = arith.cmpi slt, %select_n3A, %lt3A_4 : i32
    %ne3A_6 = arith.xori %lt3A_3, %lt3A_5 : i1
    %and3A = arith.andi %ne3A_6, %ne3A_2 : i1
    %add3A = arith.addi %rem3A, %select_n3A : i32
    %select_n3A_7 = arith.select %and3A, %add3A, %rem3A : i32
    %mul3A = arith.constant 2 : i32
    %mul3A_8 = arith.muli %select_n3A_7, %mul3A : i32
    %jit3A_9 = arith.constant 4 : i32
    %div3A = arith.divsi %arg0, %jit3A_9 : i32
    %sign3A = arith.constant 0 : i32
    %sign3A_10 = arith.cmpi sgt, %arg0, %sign3A : i32
    %sign3A_11 = arith.extui %sign3A_10 : i1 to i32
    %sign3A_12 = arith.constant 0 : i32
    %sign3A_13 = arith.cmpi slt, %arg0, %sign3A_12 : i32
    %sign3A_14 = arith.extui %sign3A_13 : i1 to i32
    %sign3A_15 = arith.subi %sign3A_11, %sign3A_14 : i32
    %sign3A_16 = arith.constant 0 : i32
    %sign3A_17 = arith.cmpi sgt, %jit3A_9, %sign3A_16 : i32
    %sign3A_18 = arith.extui %sign3A_17 : i1 to i32
    %sign3A_19 = arith.constant 0 : i32
    %sign3A_20 = arith.cmpi slt, %jit3A_9, %sign3A_19 : i32
    %sign3A_21 = arith.extui %sign3A_20 : i1 to i32
    %sign3A_22 = arith.subi %sign3A_18, %sign3A_21 : i32
    %ne3A_23 = arith.cmpi ne, %sign3A_15, %sign3A_22 : i32
    %rem3A_24 = arith.remsi %arg0, %jit3A_9 : i32
    %ne3A_25 = arith.constant 0 : i32
    %ne3A_26 = arith.cmpi ne, %rem3A_24, %ne3A_25 : i32
    %and3A_27 = arith.andi %ne3A_23, %ne3A_26 : i1
    %sub3A = arith.constant 1 : i32
    %sub3A_28 = arith.subi %div3A, %sub3A : i32
    %select_n3A_29 = arith.select %and3A_27, %sub3A_28, %div3A : i32
    %add3A_30 = arith.addi %mul3A_8, %select_n3A_29 : i32
    %c0_i32 = arith.constant 0 : i32
    %c0_i32_31 = arith.constant 0 : i32
    return %add3A_30, %c0_i32 : i32, i32
  }
}

</mosaic_0001>

<sc_bundles>
// kernel: kernel.4.cloned.1.call-start
scs
__scs_entry_jumppad:
0x0: {  	(pc) =	sbr.rel $0x88, $3  }
0x1: {  	(tag) =	ssettag $0x0;
	lr =	simm.s32 $0x1  }
0x2: {  	[smem:$0x3F9A] =	sst lr;
	_ =	strace $0xD0000000  }
0x3: {  	_ = 	snop  }
0x4: {  	_ = 	snop  }
0x5: {  	_ = 	snop  }
0x6: {  	_ = 	snop  }
0x7: {  	_ = 	snop  }
__scs_overlays_trampoline_lowered:
0x8: {  	[smem:$0x3FA9] =	sst s0  }
0x9: {  	[smem:$0x3FAA] =	sst s1  }
0xa: {  	[smem:$0x3FAB] =	sst s2  }
0xb: {  	[smem:$0x3FAC] =	sst s3  }
0xc: {  	[smem:$0x3FAD] =	sst s4  }
0xd: {  	[smem:$0x3FAE] =	sst s5  }
0xe: {  	[smem:$0x3FAF] =	sst s6  }
0xf: {  	[smem:$0x3FB0] =	sst s7  }
0x10: {  	[smem:$0x3FB1] =	sst s8  }
0x11: {  	[smem:$0x3FB2] =	sst s9;
	s0 =	simm.s32 @!p0 $0x0  }
0x12: {  	s1 =	sld [smem:$0x3F98];
	s0 =	simm.s32 @p0 $0x1  }
0x13: {  	[smem:$0x3FB3] =	sst s0;
	s0 =	simm.s32 @!p1 $0x0  }
0x14: {  	s2 =	sld [smem:$0x3F97];
	s0 =	simm.s32 @p1 $0x1  }
0x15: {  	[smem:$0x3FB4] =	sst s0;
	s0 =	simm.s32 @!p2 $0x0  }
0x16: {  	s3 =	sld [smem:$0x3FDB];
	s0 =	simm.s32 @p2 $0x1  }
0x17: {  	s4 =	simm.s32 $0x1BF5;
	[smem:$0x3FB6] =	sst s0  }
0x18: {  	s0 =	sld [smem:$0x3F99];
	_ =	swait.ge [sflag:s4], $0x0  }
0x19: {  	s7 =	sld [smem:$0x3F9A]  }
0x1a: {  	s8 =	sadd.s32 $0xFFFFE003, lr  }
0x1b: {  	s9 =	sadd.s32 $0xFFFFFEF7, lr;
	s5 =	simm.s32 $0xFFFFFFFF;
	p2 =	slt.u32 s8, $0xFFFFF086  }
0x1c: {  	p1 =	slt.u32 s9, $0xF7A;
	s5 =	simm.s32 @!p2 $0x0  }
0x1d: {  	s5 =	simm.s32 @p1 $0x1;
	p0 =	seq.s32 s7, s2  }
0x1e: {  	s7 =	smul.u32 @!p0 $0xF7A, s2;
	p2 =	seq.s32 @!p0 s5, $0x0  }
0x1f: {  	s9 =	smul.u32 $0xF7A, s1;
	s8 =	simm.s32 @!p0 $0x1BF5;
	p2 =	por !p2, p0  }
0x20: {  	[sflag:s8] =	ssyncset.s32 @!p0 $0xFFFFF086;
	s6 =	sadd.s32 @!p0 s3, s7;
	s7 =	simm.s32 @!p0 $0x108  }
0x21: {  	s3 =	sadd.s32 s3, s9;
	s6 =	sadd.s32 @!p0 $0x88, s6;
	s7 =	simm.s32 @p2 $0x1082  }
0x22: {  	[simem:s7], [sflag:s8] =	dma.local @!p0 [hbm:s6], $0xF7A  }
0x23: {  	s9 =	sor.u32 $0xD0000000, s2;
	s6 =	simm.s32 $0x108;
	_ =	swait.ge @!p0 [sflag:s8], $0x0  }
0x24: {  	s3 =	sadd.s32 $0x88, s3;
	s6 =	simm.s32 @!p1 $0x1082;
	[sflag:s4] =	ssyncset.s32 $0xFFFFF086  }
0x25: {  	[simem:s6], [sflag:s4] =	dma.local [hbm:s3], $0xF7A  }
0x26: {  	[smem:$0x3F9A] =	sst s1;
	(tag) =	ssettag s2;
	_ =	strace s9  }
0x27: {  	s1 =	sld [smem:$0x3FAA]  }
0x28: {  	s2 =	sld [smem:$0x3FAB]  }
0x29: {  	s4 =	sld [smem:$0x3FAD]  }
0x2a: {  	p0 =	seq.s32 s5, $0x0;
	s5 =	sld [smem:$0x3FAE]  }
0x2b: {  	s6 =	sld [smem:$0x3FAF]  }
0x2c: {  	s7 =	sld [smem:$0x3FB0]  }
0x2d: {  	s3 =	simm.s32 $0x108;
	s8 =	sld [smem:$0x3FB1]  }
0x2e: {  	s3 =	simm.s32 @!p0 $0x1082;
	s9 =	sld [smem:$0x3FB2]  }
0x2f: {  	lr =	sadd.s32 s0, s3;
	s0 =	sld [smem:$0x3FA9]  }
0x30: {  	s3 =	sld [smem:$0x3FAC]  }
0x31: {  	[smem:$0x3FB5] =	sst s10  }
0x32: {  	s10 =	sld [smem:$0x3FB3];
	_ =	sdelay $0x3  }
0x33: {  	p0 =	seq.s32 s10, $0x1;
	s10 =	sld [smem:$0x3FB5];
	_ =	sdelay $0x3  }
0x34: {  	[smem:$0x3FB5] =	sst s10  }
0x35: {  	s10 =	sld [smem:$0x3FB4];
	_ =	sdelay $0x3  }
0x36: {  	p1 =	seq.s32 s10, $0x1;
	s10 =	sld [smem:$0x3FB5];
	_ =	sdelay $0x3  }
0x37: {  	[smem:$0x3FB5] =	sst s10  }
0x38: {  	s10 =	sld [smem:$0x3FB6]  }
0x39: {  	_ = 	snop;
	(pc) =	sbr.ind lr, $3  }
0x3a: {  	_ = 	snop  }
0x3b: {  	_ = 	snop  }
0x3c: {  	p2 =	seq.s32 s10, $0x1;
	s10 =	sld [smem:$0x3FB5]  }
0x3d: {  	_ =	shalt  }
0x3e: {  	_ =	shalt  }
0x3f: {  	_ =	shalt  }
0x40: {  	_ =	shalt  }
0x41: {  	_ =	shalt  }
0x42: {  	_ =	shalt  }
0x43: {  	_ =	shalt  }
0x44: {  	_ =	shalt  }
0x45: {  	_ =	shalt  }
0x46: {  	_ =	shalt  }
0x47: {  	_ =	shalt  }
0x48: {  	_ =	shalt  }
0x49: {  	_ =	shalt  }
0x4a: {  	_ =	shalt  }
0x4b: {  	_ =	shalt  }
0x4c: {  	_ =	shalt  }
0x4d: {  	_ =	shalt  }
0x4e: {  	_ =	shalt  }
0x4f: {  	_ =	shalt  }
0x50: {  	_ =	shalt  }
0x51: {  	_ =	shalt  }
0x52: {  	_ =	shalt  }
0x53: {  	_ =	shalt  }
0x54: {  	_ =	shalt  }
0x55: {  	_ =	shalt  }
0x56: {  	_ =	shalt  }
0x57: {  	_ =	shalt  }
0x58: {  	_ =	shalt  }
0x59: {  	_ =	shalt  }
0x5a: {  	_ =	shalt  }
0x5b: {  	_ =	shalt  }
0x5c: {  	_ =	shalt  }
0x5d: {  	_ =	shalt  }
0x5e: {  	_ =	shalt  }
0x5f: {  	_ =	shalt  }
0x60: {  	_ =	shalt  }
0x61: {  	_ =	shalt  }
0x62: {  	_ =	shalt  }
0x63: {  	_ =	shalt  }
0x64: {  	_ =	shalt  }
0x65: {  	_ =	shalt  }
0x66: {  	_ =	shalt  }
0x67: {  	_ =	shalt  }
0x68: {  	_ =	shalt  }
0x69: {  	_ =	shalt  }
0x6a: {  	_ =	shalt  }
0x6b: {  	_ =	shalt  }
0x6c: {  	_ =	shalt  }
0x6d: {  	_ =	shalt  }
0x6e: {  	_ =	shalt  }
0x6f: {  	_ =	shalt  }
0x70: {  	_ =	shalt  }
0x71: {  	_ =	shalt  }
0x72: {  	_ =	shalt  }
0x73: {  	_ =	shalt  }
0x74: {  	_ =	shalt  }
0x75: {  	_ =	shalt  }
0x76: {  	_ =	shalt  }
0x77: {  	_ =	shalt  }
0x78: {  	_ =	shalt  }
0x79: {  	_ =	shalt  }
0x7a: {  	_ =	shalt  }
0x7b: {  	_ =	shalt  }
0x7c: {  	_ =	shalt  }
0x7d: {  	_ =	shalt  }
0x7e: {  	_ =	shalt  }
0x7f: {  	_ =	shalt  }
0x80: {  	_ =	shalt  }
0x81: {  	_ =	shalt  }
0x82: {  	_ =	shalt  }
0x83: {  	_ =	shalt  }
0x84: {  	_ =	shalt  }
0x85: {  	_ =	shalt  }
0x86: {  	_ =	shalt  }
0x87: {  	_ =	shalt  }
.Lfunc_end0:
.L_simem_size_0:
called_computation_lowered:
.L_overlay_start_0:
0x88: {  	s2 =	sld [smem:$0x3FD9]  }
0x89: {  	s3 =	sld [smem:$0x3FFE];
	_ =	sdelay $0x1  }
0x8a: {  	s1 =	srdreg.scid  }
0x8b: {  	s0 =	sand.u32 $0x1, s1  }
0x8c: {  	s17 =	sshll.u32 s0, $0xA;
	s2 =	sadd.s32 s3, s2  }
0x8d: {  	s2 =	sadd.s32 s2, s17  }
0x8e: {  	[smem:$0x3FC1] =	sst s2  }
0x8f: {  	_ = 	snop  }
0x90: {  	s2 =	sld [smem:$0x3FC7]  }
0x91: {  	s18 =	sld [smem:$0x3FD0];
	(tm) =	ssettm $0x1  }
0x92: {  	s4 =	sld [smem:$0x3FFB];
	_ =	sdelay $0x3  }
0x93: {  	_ =	strace s4  }
0x94: {  	s4 =	sld [smem:$0x3FFC];
	_ =	sdelay $0x3  }
0x95: {  	_ =	strace s4  }
0x96: {  	s4 =	sld [smem:$0x3FFD];
	_ =	sdelay $0x3  }
0x97: {  	_ =	strace s4  }
0x98: {  	_ =	strace $0x8FFFFFFF  }
0x99: {  	s19 =	sld [smem:$0x3FDB];
	_ =	sdelay $0x1  }
0x9a: {  	s5 =	simm.s32 $_scs_section_size  }
0x9b: {  	s6 =	simm.s32 $_size__tile_overlayer_lowered;
	s7 =	simm.s32 $_tile_overlayer_lowered  }
0x9c: {  	s22 =	simm.s32 $0x1BFF;
	s21 =	sshll.u32 s7, $0x1;
	s4 =	sadd.s32 s5, s19  }
0x9d: {  	s8 =	simm.s32 $0x0;
	s20 =	sshll.u32 s6, $0x1;
	s6 =	sadd.s32 s21, s4  }
0x9e: {  	[timem:s8], [sflag:s22] =	dma.local [hbm:s6], s20  }
0x9f: {  	_ =	swait.ge [sflag:s22], s20  }
0xa0: {  	s5 =	ssub.s32 $0x0, s20;
	[sflag:s22] =	ssyncset.done $0x0  }
0xa1: {  	[sflag:s22] =	ssyncadd.s32 s5;
	_ =	sdelay $0x1  }
0xa2: {  	s23 =	simm.s32 $0x1B8B  }
0xa3: {  	_ =	swait.ge [sflag:s23], $0x1  }
0xa4: {  	[sflag:s23] =	ssyncset.done $0x0  }
0xa5: {  	s25 =	simm.s32 $0x1B8E;
	s24 =	sld [smem:$0x3FFE];
	[sflag:s23] =	ssyncadd.s32 $0xFFFFFFFF  }
0xa6: {  	s26 =	simm.s32 $execute0_lowered;
	[smem:$0x3FD2] =	sst s25  }
0xa7: {  	s6 =	sshll.u32 s26, $0x1;
	_ =	strace $0x80000046;
	[dreg:$0x1] =	wrdreg $0xFFFFFFFF  }
0xa8: {  	s28 =	simm.s32 $_size_execute0_lowered;
	s4 =	sadd.s32 s4, s6;
	[dreg:$0x0] =	wrdreg $0x0  }
0xa9: {  	s6 =	sshll.u32 s28, $0x1;
	[dreg:$0x2] =	wrdreg s4  }
0xaa: {  	[dreg:$0x3] =	wrdreg s6  }
0xab: {  	[dreg:$0x4] =	wrdreg $0xC0  }
0xac: {  	_ =	task [dreg:s8], $0x5FFFF  }
0xad: {  	[dreg:$0x1] =	wrdreg $0xFFFFFFFF  }
0xae: {  	[dreg:$0x0] =	wrdreg $0x60  }
0xaf: {  	[dreg:$0x2] =	wrdreg s18  }
0xb0: {  	[dreg:$0x3] =	wrdreg s2  }
0xb1: {  	[dreg:$0x4] =	wrdreg s24  }
0xb2: {  	[dreg:$0x5] =	wrdreg $0x9  }
0xb3: {  	_ =	task.clear_ibuf [dreg:s8], $0x6FFFF;
	_ =	strace $0x90000046  }
0xb4: {  	s29 =	simm.s32 $0x9;
	_ =	strace $0x80000048  }
0xb5: {  	_ =	swait.ge [sflag:s29], $0x1  }
0xb6: {  	[sflag:s29] =	ssyncadd.s32 $0xFFFFFFFF  }
0xb7: {  	_ =	strace $0x90000048  }
0xb8: {  	_ =	sfence  }
0xb9: {  	s30 =	sld [smem:$0x0];
	_ =	sdelay $0x2  }
0xba: {  	s31 =	sshll.u32 s1, $0xD;
	s1 =	sshrl.u32 s1, $0x2  }
0xbb: {  	s3 =	sand.u32 $0x4000, s31;
	s1 =	sadd.s32 s1, s30  }
0xbc: {  	s0 =	sor.u32 s3, s0;
	s1 =	sshll.u32 s1, $0x11  }
0xbd: {  	s0 =	sor.u32 s1, s0  }
0xbe: {  	s0 =	sadd.s32 $0x8F2B, s0  }
0xbf: {  	[sflag:s0] =	ssyncadd.remote.s32 $0x1  }
0xc0: {  	_ =	sfence.sel $0xFFFF  }
0xc1: {  	[dreg:$0x0] =	wrdreg $0xFFFFFFFF;
	(pc) =	sbr.abs _section_cstart, $3  }
0xc2: {  	[dreg:$0x1] =	wrdreg $0xFFFFFFFF  }
0xc3: {  	_ =	task.clear_ibuf [dreg:s8], $0x2FFFF;
	_ =	strace $0x9FFFFFFF  }
0xc4: {  	(tm) =	ssettm $0x7FFFFFFF  }
0xc5: {  	_ =	shalt  }
tec
execute0_lowered:
.L_overlay_start_1:
0x0: {  	(tag) =	ssettag $0x1  }
0x1: {  	s0 =	srdreg.scid  }
0x2: {  	s3 =	stileid.u32;
	s0 =	sand.u32 $0x1, s0  }
0x3: {  	s1 =	rddreg [dreg:$0x0];
	s3 =	sshll.u32 s3, $0x7;
	s4 =	sshll.u32 s0, $0x6  }
0x4: {  	s2 =	rddreg [dreg:$0x1];
	s4 =	sor.u32 s4, s3  }
0x5: {  	s5 =	rddreg [dreg:$0x2];
	s3 =	simm.s32 $0x0;
	s6 =	smul.u32 $0x300, s4  }
0x6: {  	s5 =	sadd.s32 $0xE00, s5;
	[smem:$0x7FF] =	sst s3;
	s1 =	sadd.s32 s1, s4  }
0x7: {  	_ =	strace $0x80000047;
	[dreg:$0x4] =	wrdreg s1;
	s6 =	sadd.s32 s5, s6  }
0x8: {  	s8 =	simm.s32 $0x5;
	s15 =	sadd.s32 $0xC00, s6;
	[dreg:$0x14] =	wrdreg s6  }
0x9: {  	s4 =	smul.u32 $0x1800, s4;
	s16 =	sadd.s32 $0x1800, s6;
	[dreg:$0x5] =	wrdreg s15  }
0xa: {  	s11 =	simm.s32 $0x1;
	s17 =	sadd.s32 $0x2400, s6;
	[dreg:$0x6] =	wrdreg s16  }
0xb: {  	s4 =	sshrl.u32 s4, $0x3;
	s18 =	sadd.s32 $0x3000, s6;
	[dreg:$0x7] =	wrdreg s17  }
0xc: {  	s19 =	sadd.s32 $0x3C00, s6;
	s4 =	sadd.s32 s5, s4;
	[dreg:$0x8] =	wrdreg s18  }
0xd: {  	s12 =	simm.s32 $0x2;
	[dreg:$0x9] =	wrdreg s19;
	s20 =	sadd.s32 $0x4800, s4  }
0xe: {  	s13 =	simm.s32 $0x3;
	s21 =	sadd.s32 $0x5400, s4;
	[dreg:$0xa] =	wrdreg s20  }
0xf: {  	s14 =	simm.s32 $0x4;
	s22 =	sadd.s32 $0x6000, s4;
	[dreg:$0xb] =	wrdreg s21  }
0x10: {  	s0 =	ssub.s32 $0x2, s0;
	s23 =	sadd.s32 $0x6C00, s4;
	[dreg:$0xc] =	wrdreg s22  }
0x11: {  	s29 =	sshrl.u32 s0, $0x1;
	s24 =	sadd.s32 $0x7800, s4;
	[dreg:$0xd] =	wrdreg s23  }
0x12: {  	s0 =	ssub.s32 s0, s29;
	s25 =	sadd.s32 $0x8400, s4;
	[dreg:$0xe] =	wrdreg s24  }
0x13: {  	s7 =	smax.u32 s0, $0x1;
	s26 =	sadd.s32 $0x9000, s4;
	[dreg:$0xf] =	wrdreg s25  }
0x14: {  	s5 =	sadd.s32 $0x100, s2;
	s28 =	sadd.s32 $0x9C00, s4;
	[dreg:$0x10] =	wrdreg s26  }
0x15: {  	v2 =	vlaneseq.u32;
	s6 =	sadd.s32 $0x200, s2;
	s30 =	sadd.s32 $0xA800, s4;
	[dreg:$0x11] =	wrdreg s28  }
0x16: {  	vm0 =	vmmov $0xffff;
	v1 =	vshrl.u32 v2, $0x3;
	s31 =	sadd.s32 $0xB400, s4;
	s4 =	simm.s32 $0x6200;
	[dreg:$0x12] =	wrdreg s30  }
0x17: {  	v0 =	vand.u32 $0x7, v2;
	v2 =	vor.u32 $0x8, v2;
	v1 =	vmul.u32 $0x8, v1;
	[dreg:$0x13] =	wrdreg s31;
	s21 =	simm.s32 $0x200;
	s22 =	simm.s32 $0xC200  }
.LBB2_1:
0x18: {  	s15 =	rddreg [dreg:$0x4]  }
0x19: {  	[tilespmem:s3], [sflag:$0x5] =	stream.linear.gather [hbm4b:s15+s3], $0x200, $0x38;
	[tilespmem:$0x18200] =	vst v63  }
0x1a: {  	_ =	swait.ge [sflag:s8], $0x200  }
0x1b: {  	[sflag:s8] =	ssyncset.done $0x0  }
0x1c: {  	[sflag:s8] =	ssyncadd.s32 $0xFFFFFE00  }
0x1d: {  	v3 =	vld [tilespmem:$0x0];
	_ =	sdelay $0x4  }
0x1e: {  	v4 =	vshrl.u32 v3, $0x3  }
0x1f: {  	v4 =	vmul.u32 $0x30, v4  }
0x20: {  	v3 =	vand.u32 $0x7, v3  }
0x21: {  	v3 =	vor.u32 v3, v4  }
0x22: {  	v4 =	vperm.xlane v3, v0;
	_ =	sdelay $0x1  }
0x23: {  	v4 =	vadd.s32 v1, v4;
	_ =	sdelay $0x3  }
0x24: {  	v3 =	vperm.xlane v3, v2  }
0x25: {  	[tilespmem:s21], [sflag:$0x1] =	stream.indirect_vreg.gather [hbm4b:s2+s3], $0x80, v4, vm0, $0xb8;
	[tilespmem:$0x18200] =	vst v63  }
0x26: {  	s0 =	simm.s32 $0xA00;
	v3 =	vadd.s32 v1, v3  }
0x27: {  	[tilespmem:s0], [sflag:$0x1] =	stream.indirect_vreg.gather [hbm4b:s5+s3], $0x80, v4, vm0, $0xb8;
	[tilespmem:$0x18200] =	vst v63  }
0x28: {  	s9 =	simm.s32 $0x1200  }
0x29: {  	[tilespmem:s9], [sflag:$0x1] =	stream.indirect_vreg.gather [hbm4b:s6+s3], $0x80, v4, vm0, $0xb8;
	[tilespmem:$0x18200] =	vst v63  }
0x2a: {  	s10 =	simm.s32 $0x1A00  }
0x2b: {  	[tilespmem:s10], [sflag:$0x1] =	stream.indirect_vreg.gather [hbm4b:s2+s3], $0x80, v3, vm0, $0xb8;
	[tilespmem:$0x18200] =	vst v63  }
0x2c: {  	s15 =	simm.s32 $0x2200  }
0x2d: {  	[tilespmem:s15], [sflag:$0x1] =	stream.indirect_vreg.gather [hbm4b:s5+s3], $0x80, v3, vm0, $0xb8;
	[tilespmem:$0x18200] =	vst v63  }
0x2e: {  	s16 =	simm.s32 $0x2A00  }
0x2f: {  	[tilespmem:s16], [sflag:$0x1] =	stream.indirect_vreg.gather [hbm4b:s6+s3], $0x80, v3, vm0, $0xb8;
	[tilespmem:$0x18200] =	vst v63  }
0x30: {  	v3 =	vld [tilespmem:$0x10];
	_ =	sdelay $0x4  }
0x31: {  	v33 =	vshrl.u32 v3, $0x3  }
0x32: {  	v4 =	vmul.u32 $0x30, v33  }
0x33: {  	v3 =	vand.u32 $0x7, v3  }
0x34: {  	v3 =	vor.u32 v3, v4  }
0x35: {  	v4 =	vperm.xlane v3, v0;
	_ =	sdelay $0x1  }
0x36: {  	v4 =	vadd.s32 v1, v4;
	_ =	sdelay $0x3  }
0x37: {  	s17 =	simm.s32 $0x3200;
	v3 =	vperm.xlane v3, v2  }
0x38: {  	[tilespmem:s17], [sflag:$0x1] =	stream.indirect_vreg.gather [hbm4b:s2+s3], $0x80, v4, vm0, $0xb8;
	[tilespmem:$0x18200] =	vst v63  }
0x39: {  	s18 =	simm.s32 $0x3A00;
	v3 =	vadd.s32 v1, v3  }
0x3a: {  	[tilespmem:s18], [sflag:$0x1] =	stream.indirect_vreg.gather [hbm4b:s5+s3], $0x80, v4, vm0, $0xb8;
	[tilespmem:$0x18200] =	vst v63  }
0x3b: {  	s19 =	simm.s32 $0x4200  }
0x3c: {  	[tilespmem:s19], [sflag:$0x1] =	stream.indirect_vreg.gather [hbm4b:s6+s3], $0x80, v4, vm0, $0xb8;
	[tilespmem:$0x18200] =	vst v63  }
0x3d: {  	s20 =	simm.s32 $0x4A00  }
0x3e: {  	[tilespmem:s20], [sflag:$0x1] =	stream.indirect_vreg.gather [hbm4b:s2+s3], $0x80, v3, vm0, $0xb8;
	[tilespmem:$0x18200] =	vst v63  }
0x3f: {  	s23 =	simm.s32 $0x5200  }
0x40: {  	[tilespmem:s23], [sflag:$0x1] =	stream.indirect_vreg.gather [hbm4b:s5+s3], $0x80, v3, vm0, $0xb8;
	[tilespmem:$0x18200] =	vst v63  }
0x41: {  	s24 =	simm.s32 $0x5A00  }
0x42: {  	[tilespmem:s24], [sflag:$0x1] =	stream.indirect_vreg.gather [hbm4b:s6+s3], $0x80, v3, vm0, $0xb8;
	[tilespmem:$0x18200] =	vst v63  }
0x43: {  	v3 =	vld [tilespmem:$0x20];
	_ =	sdelay $0x4  }
0x44: {  	v34 =	vshrl.u32 v3, $0x3  }
0x45: {  	v4 =	vmul.u32 $0x30, v34  }
0x46: {  	v3 =	vand.u32 $0x7, v3  }
0x47: {  	v3 =	vor.u32 v3, v4  }
0x48: {  	v4 =	vperm.xlane v3, v0;
	_ =	sdelay $0x1  }
0x49: {  	v4 =	vadd.s32 v1, v4;
	_ =	sdelay $0x3  }
0x4a: {  	v3 =	vperm.xlane v3, v2  }
0x4b: {  	[tilespmem:s4], [sflag:$0x2] =	stream.indirect_vreg.gather [hbm4b:s2+s3], $0x80, v4, vm0, $0xb8;
	[tilespmem:$0x18200] =	vst v63  }
0x4c: {  	s29 =	simm.s32 $0x6A00;
	v3 =	vadd.s32 v1, v3  }
0x4d: {  	[tilespmem:s29], [sflag:$0x2] =	stream.indirect_vreg.gather [hbm4b:s5+s3], $0x80, v4, vm0, $0xb8;
	[tilespmem:$0x18200] =	vst v63  }
0x4e: {  	s30 =	simm.s32 $0x7200  }
0x4f: {  	[tilespmem:s30], [sflag:$0x2] =	stream.indirect_vreg.gather [hbm4b:s6+s3], $0x80, v4, vm0, $0xb8;
	[tilespmem:$0x18200] =	vst v63  }
0x50: {  	s31 =	simm.s32 $0x7A00  }
0x51: {  	[tilespmem:s31], [sflag:$0x2] =	stream.indirect_vreg.gather [hbm4b:s2+s3], $0x80, v3, vm0, $0xb8;
	[tilespmem:$0x18200] =	vst v63  }
0x52: {  	s15 =	simm.s32 $0x8200  }
0x53: {  	[tilespmem:s15], [sflag:$0x2] =	stream.indirect_vreg.gather [hbm4b:s5+s3], $0x80, v3, vm0, $0xb8;
	[tilespmem:$0x18200] =	vst v63  }
0x54: {  	s23 =	simm.s32 $0x8A00  }
0x55: {  	[tilespmem:s23], [sflag:$0x2] =	stream.indirect_vreg.gather [hbm4b:s6+s3], $0x80, v3, vm0, $0xb8;
	[tilespmem:$0x18200] =	vst v63  }
0x56: {  	v3 =	vld [tilespmem:$0x30];
	_ =	sdelay $0x4  }
0x57: {  	v35 =	vshrl.u32 v3, $0x3  }
0x58: {  	v4 =	vmul.u32 $0x30, v35  }
0x59: {  	v3 =	vand.u32 $0x7, v3  }
0x5a: {  	v3 =	vor.u32 v3, v4  }
0x5b: {  	v4 =	vperm.xlane v3, v0;
	_ =	sdelay $0x1  }
0x5c: {  	v4 =	vadd.s32 v1, v4;
	_ =	sdelay $0x3  }
0x5d: {  	s24 =	simm.s32 $0x9200;
	v3 =	vperm.xlane v3, v2  }
0x5e: {  	[tilespmem:s24], [sflag:$0x2] =	stream.indirect_vreg.gather [hbm4b:s2+s3], $0x80, v4, vm0, $0xb8;
	[tilespmem:$0x18200] =	vst v63  }
0x5f: {  	s31 =	simm.s32 $0x9A00;
	v3 =	vadd.s32 v1, v3  }
0x60: {  	[tilespmem:s31], [sflag:$0x2] =	stream.indirect_vreg.gather [hbm4b:s5+s3], $0x80, v4, vm0, $0xb8;
	[tilespmem:$0x18200] =	vst v63  }
0x61: {  	s15 =	simm.s32 $0xA200  }
0x62: {  	[tilespmem:s15], [sflag:$0x2] =	stream.indirect_vreg.gather [hbm4b:s6+s3], $0x80, v4, vm0, $0xb8;
	[tilespmem:$0x18200] =	vst v63  }
0x63: {  	s15 =	simm.s32 $0xAA00  }
0x64: {  	[tilespmem:s15], [sflag:$0x2] =	stream.indirect_vreg.gather [hbm4b:s2+s3], $0x80, v3, vm0, $0xb8;
	[tilespmem:$0x18200] =	vst v63  }
0x65: {  	s15 =	simm.s32 $0xB200  }
0x66: {  	[tilespmem:s15], [sflag:$0x2] =	stream.indirect_vreg.gather [hbm4b:s5+s3], $0x80, v3, vm0, $0xb8;
	[tilespmem:$0x18200] =	vst v63  }
0x67: {  	s15 =	simm.s32 $0xBA00  }
0x68: {  	[tilespmem:s15], [sflag:$0x2] =	stream.indirect_vreg.gather [hbm4b:s6+s3], $0x80, v3, vm0, $0xb8;
	[tilespmem:$0x18200] =	vst v63  }
0x69: {  	v3 =	vld [tilespmem:$0x40];
	_ =	sdelay $0x4  }
0x6a: {  	v36 =	vshrl.u32 v3, $0x3  }
0x6b: {  	v4 =	vmul.u32 $0x30, v36  }
0x6c: {  	v3 =	vand.u32 $0x7, v3  }
0x6d: {  	v3 =	vor.u32 v3, v4  }
0x6e: {  	v4 =	vperm.xlane v3, v0;
	_ =	sdelay $0x1  }
0x6f: {  	v4 =	vadd.s32 v1, v4;
	_ =	sdelay $0x3  }
0x70: {  	v3 =	vperm.xlane v3, v2  }
0x71: {  	[tilespmem:s22], [sflag:$0x3] =	stream.indirect_vreg.gather [hbm4b:s2+s3], $0x80, v4, vm0, $0xb8;
	[tilespmem:$0x18200] =	vst v63  }
0x72: {  	s15 =	simm.s32 $0xCA00;
	v3 =	vadd.s32 v1, v3  }
0x73: {  	[tilespmem:s15], [sflag:$0x3] =	stream.indirect_vreg.gather [hbm4b:s5+s3], $0x80, v4, vm0, $0xb8;
	[tilespmem:$0x18200] =	vst v63  }
0x74: {  	s15 =	simm.s32 $0xD200  }
0x75: {  	[tilespmem:s15], [sflag:$0x3] =	stream.indirect_vreg.gather [hbm4b:s6+s3], $0x80, v4, vm0, $0xb8;
	[tilespmem:$0x18200] =	vst v63  }
0x76: {  	s15 =	simm.s32 $0xDA00  }
0x77: {  	[tilespmem:s15], [sflag:$0x3] =	stream.indirect_vreg.gather [hbm4b:s2+s3], $0x80, v3, vm0, $0xb8;
	[tilespmem:$0x18200] =	vst v63  }
0x78: {  	s15 =	simm.s32 $0xE200  }
0x79: {  	[tilespmem:s15], [sflag:$0x3] =	stream.indirect_vreg.gather [hbm4b:s5+s3], $0x80, v3, vm0, $0xb8;
	[tilespmem:$0x18200] =	vst v63  }
0x7a: {  	s15 =	simm.s32 $0xEA00  }
0x7b: {  	[tilespmem:s15], [sflag:$0x3] =	stream.indirect_vreg.gather [hbm4b:s6+s3], $0x80, v3, vm0, $0xb8;
	[tilespmem:$0x18200] =	vst v63  }
0x7c: {  	v3 =	vld [tilespmem:$0x50];
	_ =	sdelay $0x4  }
0x7d: {  	v37 =	vshrl.u32 v3, $0x3  }
0x7e: {  	v4 =	vmul.u32 $0x30, v37  }
0x7f: {  	v3 =	vand.u32 $0x7, v3  }
0x80: {  	v3 =	vor.u32 v3, v4  }
0x81: {  	v4 =	vperm.xlane v3, v0;
	_ =	sdelay $0x1  }
0x82: {  	v4 =	vadd.s32 v1, v4;
	_ =	sdelay $0x3  }
0x83: {  	s15 =	simm.s32 $0xF200;
	v3 =	vperm.xlane v3, v2  }
0x84: {  	[tilespmem:s15], [sflag:$0x3] =	stream.indirect_vreg.gather [hbm4b:s2+s3], $0x80, v4, vm0, $0xb8;
	[tilespmem:$0x18200] =	vst v63  }
0x85: {  	v3 =	vadd.s32 v1, v3;
	s15 =	simm.s32 $0xFA00  }
0x86: {  	[tilespmem:s15], [sflag:$0x3] =	stream.indirect_vreg.gather [hbm4b:s5+s3], $0x80, v4, vm0, $0xb8;
	[tilespmem:$0x18200] =	vst v63  }
0x87: {  	s15 =	simm.s32 $0x10200  }
0x88: {  	[tilespmem:s15], [sflag:$0x3] =	stream.indirect_vreg.gather [hbm4b:s6+s3], $0x80, v4, vm0, $0xb8;
	[tilespmem:$0x18200] =	vst v63  }
0x89: {  	s15 =	simm.s32 $0x10A00  }
0x8a: {  	[tilespmem:s15], [sflag:$0x3] =	stream.indirect_vreg.gather [hbm4b:s2+s3], $0x80, v3, vm0, $0xb8;
	[tilespmem:$0x18200] =	vst v63  }
0x8b: {  	s15 =	simm.s32 $0x11200  }
0x8c: {  	[tilespmem:s15], [sflag:$0x3] =	stream.indirect_vreg.gather [hbm4b:s5+s3], $0x80, v3, vm0, $0xb8;
	[tilespmem:$0x18200] =	vst v63  }
0x8d: {  	s15 =	simm.s32 $0x11A00  }
0x8e: {  	[tilespmem:s15], [sflag:$0x3] =	stream.indirect_vreg.gather [hbm4b:s6+s3], $0x80, v3, vm0, $0xb8;
	[tilespmem:$0x18200] =	vst v63  }
0x8f: {  	v3 =	vld [tilespmem:$0x60];
	_ =	sdelay $0x4  }
0x90: {  	v38 =	vshrl.u32 v3, $0x3  }
0x91: {  	v4 =	vmul.u32 $0x30, v38  }
0x92: {  	v3 =	vand.u32 $0x7, v3  }
0x93: {  	v3 =	vor.u32 v3, v4  }
0x94: {  	v4 =	vperm.xlane v3, v0;
	_ =	sdelay $0x1  }
0x95: {  	v4 =	vadd.s32 v1, v4;
	_ =	sdelay $0x3  }
0x96: {  	s0 =	simm.s32 $0x12200;
	v3 =	vperm.xlane v3, v2  }
0x97: {  	[tilespmem:s0], [sflag:$0x4] =	stream.indirect_vreg.gather [hbm4b:s2+s3], $0x80, v4, vm0, $0xb8;
	[tilespmem:$0x18200] =	vst v63  }
0x98: {  	s15 =	simm.s32 $0x12A00;
	v3 =	vadd.s32 v1, v3  }
0x99: {  	[tilespmem:s15], [sflag:$0x4] =	stream.indirect_vreg.gather [hbm4b:s5+s3], $0x80, v4, vm0, $0xb8;
	[tilespmem:$0x18200] =	vst v63  }
0x9a: {  	s15 =	simm.s32 $0x13200  }
0x9b: {  	[tilespmem:s15], [sflag:$0x4] =	stream.indirect_vreg.gather [hbm4b:s6+s3], $0x80, v4, vm0, $0xb8;
	[tilespmem:$0x18200] =	vst v63  }
0x9c: {  	s15 =	simm.s32 $0x13A00  }
0x9d: {  	[tilespmem:s15], [sflag:$0x4] =	stream.indirect_vreg.gather [hbm4b:s2+s3], $0x80, v3, vm0, $0xb8;
	[tilespmem:$0x18200] =	vst v63  }
0x9e: {  	s15 =	simm.s32 $0x14200  }
0x9f: {  	[tilespmem:s15], [sflag:$0x4] =	stream.indirect_vreg.gather [hbm4b:s5+s3], $0x80, v3, vm0, $0xb8;
	[tilespmem:$0x18200] =	vst v63  }
0xa0: {  	s15 =	simm.s32 $0x14A00  }
0xa1: {  	[tilespmem:s15], [sflag:$0x4] =	stream.indirect_vreg.gather [hbm4b:s6+s3], $0x80, v3, vm0, $0xb8;
	[tilespmem:$0x18200] =	vst v63  }
0xa2: {  	v3 =	vld [tilespmem:$0x70];
	_ =	sdelay $0x4  }
0xa3: {  	v39 =	vshrl.u32 v3, $0x3  }
0xa4: {  	v4 =	vmul.u32 $0x30, v39  }
0xa5: {  	v3 =	vand.u32 $0x7, v3  }
0xa6: {  	v3 =	vor.u32 v3, v4  }
0xa7: {  	v4 =	vperm.xlane v3, v0;
	_ =	sdelay $0x1  }
0xa8: {  	v4 =	vadd.s32 v1, v4;
	_ =	sdelay $0x3  }
0xa9: {  	s15 =	simm.s32 $0x15200;
	v3 =	vperm.xlane v3, v2  }
0xaa: {  	[tilespmem:s15], [sflag:$0x4] =	stream.indirect_vreg.gather [hbm4b:s2+s3], $0x80, v4, vm0, $0xb8;
	[tilespmem:$0x18200] =	vst v63  }
0xab: {  	v3 =	vadd.s32 v1, v3;
	s15 =	simm.s32 $0x15A00  }
0xac: {  	[tilespmem:s15], [sflag:$0x4] =	stream.indirect_vreg.gather [hbm4b:s5+s3], $0x80, v4, vm0, $0xb8;
	[tilespmem:$0x18200] =	vst v63  }
0xad: {  	s15 =	simm.s32 $0x16200  }
0xae: {  	[tilespmem:s15], [sflag:$0x4] =	stream.indirect_vreg.gather [hbm4b:s6+s3], $0x80, v4, vm0, $0xb8;
	[tilespmem:$0x18200] =	vst v63  }
0xaf: {  	s15 =	simm.s32 $0x16A00  }
0xb0: {  	[tilespmem:s15], [sflag:$0x4] =	stream.indirect_vreg.gather [hbm4b:s2+s3], $0x80, v3, vm0, $0xb8;
	[tilespmem:$0x18200] =	vst v63  }
0xb1: {  	s15 =	simm.s32 $0x17200  }
0xb2: {  	[tilespmem:s15], [sflag:$0x4] =	stream.indirect_vreg.gather [hbm4b:s5+s3], $0x80, v3, vm0, $0xb8;
	[tilespmem:$0x18200] =	vst v63  }
0xb3: {  	s15 =	simm.s32 $0x17A00  }
0xb4: {  	[tilespmem:s15], [sflag:$0x4] =	stream.indirect_vreg.gather [hbm4b:s6+s3], $0x80, v3, vm0, $0xb8;
	[tilespmem:$0x18200] =	vst v63  }
0xb5: {  	_ =	swait.ge [sflag:s11], $0x6000  }
0xb6: {  	[sflag:s11] =	ssyncset.done $0x0  }
0xb7: {  	s15 =	rddreg [dreg:$0x14];
	[sflag:s11] =	ssyncadd.s32 $0xFFFFA000  }
0xb8: {  	[hbm4b:s15+s3] =	stream.linear.scatter [tilespmem:s21], [sflag:$0x5], $0x6000, $0x38;
	[tilespmem:$0x18200] =	vst v63  }
0xb9: {  	_ =	swait.ge [sflag:s8], $0x6000  }
0xba: {  	[sflag:s8] =	ssyncset.done $0x0  }
0xbb: {  	[sflag:s8] =	ssyncadd.s32 $0xFFFFA000  }
0xbc: {  	v3 =	vld [tilespmem:$0x80];
	_ =	sdelay $0x4  }
0xbd: {  	v40 =	vshrl.u32 v3, $0x3  }
0xbe: {  	v4 =	vmul.u32 $0x30, v40  }
0xbf: {  	v3 =	vand.u32 $0x7, v3  }
0xc0: {  	v3 =	vor.u32 v3, v4  }
0xc1: {  	v4 =	vperm.xlane v3, v0;
	_ =	sdelay $0x1  }
0xc2: {  	v4 =	vadd.s32 v1, v4;
	_ =	sdelay $0x3  }
0xc3: {  	v3 =	vperm.xlane v3, v2  }
0xc4: {  	[tilespmem:s21], [sflag:$0x1] =	stream.indirect_vreg.gather [hbm4b:s2+s3], $0x80, v4, vm0, $0xb8;
	[tilespmem:$0x18200] =	vst v63  }
0xc5: {  	s25 =	simm.s32 $0xA00;
	v3 =	vadd.s32 v1, v3  }
0xc6: {  	[tilespmem:s25], [sflag:$0x1] =	stream.indirect_vreg.gather [hbm4b:s5+s3], $0x80, v4, vm0, $0xb8;
	[tilespmem:$0x18200] =	vst v63  }
0xc7: {  	s26 =	simm.s32 $0x1200  }
0xc8: {  	[tilespmem:s26], [sflag:$0x1] =	stream.indirect_vreg.gather [hbm4b:s6+s3], $0x80, v4, vm0, $0xb8;
	[tilespmem:$0x18200] =	vst v63  }
0xc9: {  	s28 =	simm.s32 $0x1A00  }
0xca: {  	[tilespmem:s28], [sflag:$0x1] =	stream.indirect_vreg.gather [hbm4b:s2+s3], $0x80, v3, vm0, $0xb8;
	[tilespmem:$0x18200] =	vst v63  }
0xcb: {  	s10 =	simm.s32 $0x2200  }
0xcc: {  	[tilespmem:s10], [sflag:$0x1] =	stream.indirect_vreg.gather [hbm4b:s5+s3], $0x80, v3, vm0, $0xb8;
	[tilespmem:$0x18200] =	vst v63  }
0xcd: {  	s1 =	simm.s32 $0x2A00  }
0xce: {  	[tilespmem:s1], [sflag:$0x1] =	stream.indirect_vreg.gather [hbm4b:s6+s3], $0x80, v3, vm0, $0xb8;
	[tilespmem:$0x18200] =	vst v63  }
0xcf: {  	v3 =	vld [tilespmem:$0x90];
	_ =	sdelay $0x4  }
0xd0: {  	v41 =	vshrl.u32 v3, $0x3  }
0xd1: {  	v4 =	vmul.u32 $0x30, v41  }
0xd2: {  	v3 =	vand.u32 $0x7, v3  }
0xd3: {  	v3 =	vor.u32 v3, v4  }
0xd4: {  	v4 =	vperm.xlane v3, v0;
	_ =	sdelay $0x1  }
0xd5: {  	v4 =	vadd.s32 v1, v4;
	_ =	sdelay $0x3  }
0xd6: {  	s10 =	simm.s32 $0x3200;
	v3 =	vperm.xlane v3, v2  }
0xd7: {  	[tilespmem:s10], [sflag:$0x1] =	stream.indirect_vreg.gather [hbm4b:s2+s3], $0x80, v4, vm0, $0xb8;
	[tilespmem:$0x18200] =	vst v63  }
0xd8: {  	s16 =	simm.s32 $0x3A00;
	v3 =	vadd.s32 v1, v3  }
0xd9: {  	[tilespmem:s16], [sflag:$0x1] =	stream.indirect_vreg.gather [hbm4b:s5+s3], $0x80, v4, vm0, $0xb8;
	[tilespmem:$0x18200] =	vst v63  }
0xda: {  	s17 =	simm.s32 $0x4200  }
0xdb: {  	[tilespmem:s17], [sflag:$0x1] =	stream.indirect_vreg.gather [hbm4b:s6+s3], $0x80, v4, vm0, $0xb8;
	[tilespmem:$0x18200] =	vst v63  }
0xdc: {  	s20 =	simm.s32 $0x4A00  }
0xdd: {  	[tilespmem:s20], [sflag:$0x1] =	stream.indirect_vreg.gather [hbm4b:s2+s3], $0x80, v3, vm0, $0xb8;
	[tilespmem:$0x18200] =	vst v63  }
0xde: {  	s9 =	simm.s32 $0x5200  }
0xdf: {  	[tilespmem:s9], [sflag:$0x1] =	stream.indirect_vreg.gather [hbm4b:s5+s3], $0x80, v3, vm0, $0xb8;
	[tilespmem:$0x18200] =	vst v63  }
0xe0: {  	s28 =	simm.s32 $0x5A00  }
0xe1: {  	[tilespmem:s28], [sflag:$0x1] =	stream.indirect_vreg.gather [hbm4b:s6+s3], $0x80, v3, vm0, $0xb8;
	[tilespmem:$0x18200] =	vst v63  }
0xe2: {  	_ =	swait.ge [sflag:s12], $0x6000  }
0xe3: {  	[sflag:s12] =	ssyncset.done $0x0  }
0xe4: {  	s26 =	rddreg [dreg:$0x5];
	[sflag:s12] =	ssyncadd.s32 $0xFFFFA000  }
0xe5: {  	[hbm4b:s26+s3] =	stream.linear.scatter [tilespmem:s4], [sflag:$0x5], $0x6000, $0x38;
	[tilespmem:$0x18200] =	vst v63  }
0xe6: {  	_ =	swait.ge [sflag:s8], $0x6000  }
0xe7: {  	[sflag:s8] =	ssyncset.done $0x0  }
0xe8: {  	[sflag:s8] =	ssyncadd.s32 $0xFFFFA000  }
0xe9: {  	v3 =	vld [tilespmem:$0xA0];
	_ =	sdelay $0x4  }
0xea: {  	v42 =	vshrl.u32 v3, $0x3  }
0xeb: {  	v4 =	vmul.u32 $0x30, v42  }
0xec: {  	v3 =	vand.u32 $0x7, v3  }
0xed: {  	v3 =	vor.u32 v3, v4  }
0xee: {  	v4 =	vperm.xlane v3, v0;
	_ =	sdelay $0x1  }
0xef: {  	v4 =	vadd.s32 v1, v4;
	_ =	sdelay $0x3  }
0xf0: {  	v3 =	vperm.xlane v3, v2  }
0xf1: {  	[tilespmem:s4], [sflag:$0x2] =	stream.indirect_vreg.gather [hbm4b:s2+s3], $0x80, v4, vm0, $0xb8;
	[tilespmem:$0x18200] =	vst v63  }
0xf2: {  	s18 =	simm.s32 $0x6A00;
	v3 =	vadd.s32 v1, v3  }
0xf3: {  	[tilespmem:s18], [sflag:$0x2] =	stream.indirect_vreg.gather [hbm4b:s5+s3], $0x80, v4, vm0, $0xb8;
	[tilespmem:$0x18200] =	vst v63  }
0xf4: {  	s19 =	simm.s32 $0x7200  }
0xf5: {  	[tilespmem:s19], [sflag:$0x2] =	stream.indirect_vreg.gather [hbm4b:s6+s3], $0x80, v4, vm0, $0xb8;
	[tilespmem:$0x18200] =	vst v63  }
0xf6: {  	s29 =	simm.s32 $0x7A00  }
0xf7: {  	[tilespmem:s29], [sflag:$0x2] =	stream.indirect_vreg.gather [hbm4b:s2+s3], $0x80, v3, vm0, $0xb8;
	[tilespmem:$0x18200] =	vst v63  }
0xf8: {  	s30 =	simm.s32 $0x8200  }
0xf9: {  	[tilespmem:s30], [sflag:$0x2] =	stream.indirect_vreg.gather [hbm4b:s5+s3], $0x80, v3, vm0, $0xb8;
	[tilespmem:$0x18200] =	vst v63  }
0xfa: {  	s23 =	simm.s32 $0x8A00  }
0xfb: {  	[tilespmem:s23], [sflag:$0x2] =	stream.indirect_vreg.gather [hbm4b:s6+s3], $0x80, v3, vm0, $0xb8;
	[tilespmem:$0x18200] =	vst v63  }
0xfc: {  	v3 =	vld [tilespmem:$0xB0];
	_ =	sdelay $0x4  }
0xfd: {  	v43 =	vshrl.u32 v3, $0x3  }
0xfe: {  	v4 =	vmul.u32 $0x30, v43  }
0xff: {  	v3 =	vand.u32 $0x7, v3  }
0x100: {  	v3 =	vor.u32 v3, v4  }
0x101: {  	v4 =	vperm.xlane v3, v0;
	_ =	sdelay $0x1  }
0x102: {  	v4 =	vadd.s32 v1, v4;
	_ =	sdelay $0x3  }
0x103: {  	s24 =	simm.s32 $0x9200;
	v3 =	vperm.xlane v3, v2  }
0x104: {  	[tilespmem:s24], [sflag:$0x2] =	stream.indirect_vreg.gather [hbm4b:s2+s3], $0x80, v4, vm0, $0xb8;
	[tilespmem:$0x18200] =	vst v63  }
0x105: {  	s31 =	simm.s32 $0x9A00;
	v3 =	vadd.s32 v1, v3  }
0x106: {  	[tilespmem:s31], [sflag:$0x2] =	stream.indirect_vreg.gather [hbm4b:s5+s3], $0x80, v4, vm0, $0xb8;
	[tilespmem:$0x18200] =	vst v63  }
0x107: {  	s23 =	simm.s32 $0xA200  }
0x108: {  	[tilespmem:s23], [sflag:$0x2] =	stream.indirect_vreg.gather [hbm4b:s6+s3], $0x80, v4, vm0, $0xb8;
	[tilespmem:$0x18200] =	vst v63  }
0x109: {  	s24 =	simm.s32 $0xAA00  }
0x10a: {  	[tilespmem:s24], [sflag:$0x2] =	stream.indirect_vreg.gather [hbm4b:s2+s3], $0x80, v3, vm0, $0xb8;
	[tilespmem:$0x18200] =	vst v63  }
0x10b: {  	s25 =	simm.s32 $0xB200  }
0x10c: {  	[tilespmem:s25], [sflag:$0x2] =	stream.indirect_vreg.gather [hbm4b:s5+s3], $0x80, v3, vm0, $0xb8;
	[tilespmem:$0x18200] =	vst v63  }
0x10d: {  	s26 =	simm.s32 $0xBA00  }
0x10e: {  	[tilespmem:s26], [sflag:$0x2] =	stream.indirect_vreg.gather [hbm4b:s6+s3], $0x80, v3, vm0, $0xb8;
	[tilespmem:$0x18200] =	vst v63  }
0x10f: {  	_ =	swait.ge [sflag:s13], $0x6000  }
0x110: {  	[sflag:s13] =	ssyncset.done $0x0  }
0x111: {  	s29 =	rddreg [dreg:$0x6];
	[sflag:s13] =	ssyncadd.s32 $0xFFFFA000  }
0x112: {  	[hbm4b:s29+s3] =	stream.linear.scatter [tilespmem:s22], [sflag:$0x5], $0x6000, $0x38;
	[tilespmem:$0x18200] =	vst v63  }
0x113: {  	_ =	swait.ge [sflag:s8], $0x6000  }
0x114: {  	[sflag:s8] =	ssyncset.done $0x0  }
0x115: {  	[sflag:s8] =	ssyncadd.s32 $0xFFFFA000  }
0x116: {  	v3 =	vld [tilespmem:$0xC0];
	_ =	sdelay $0x4  }
0x117: {  	v44 =	vshrl.u32 v3, $0x3  }
0x118: {  	v4 =	vmul.u32 $0x30, v44  }
0x119: {  	v3 =	vand.u32 $0x7, v3  }
0x11a: {  	v3 =	vor.u32 v3, v4  }
0x11b: {  	v4 =	vperm.xlane v3, v0;
	_ =	sdelay $0x1  }
0x11c: {  	v4 =	vadd.s32 v1, v4;
	_ =	sdelay $0x3  }
0x11d: {  	v3 =	vperm.xlane v3, v2  }
0x11e: {  	[tilespmem:s22], [sflag:$0x3] =	stream.indirect_vreg.gather [hbm4b:s2+s3], $0x80, v4, vm0, $0xb8;
	[tilespmem:$0x18200] =	vst v63  }
0x11f: {  	s20 =	simm.s32 $0xCA00;
	v3 =	vadd.s32 v1, v3  }
0x120: {  	[tilespmem:s20], [sflag:$0x3] =	stream.indirect_vreg.gather [hbm4b:s5+s3], $0x80, v4, vm0, $0xb8;
	[tilespmem:$0x18200] =	vst v63  }
0x121: {  	s1 =	simm.s32 $0xD200  }
0x122: {  	[tilespmem:s1], [sflag:$0x3] =	stream.indirect_vreg.gather [hbm4b:s6+s3], $0x80, v4, vm0, $0xb8;
	[tilespmem:$0x18200] =	vst v63  }
0x123: {  	s9 =	simm.s32 $0xDA00  }
0x124: {  	[tilespmem:s9], [sflag:$0x3] =	stream.indirect_vreg.gather [hbm4b:s2+s3], $0x80, v3, vm0, $0xb8;
	[tilespmem:$0x18200] =	vst v63  }
0x125: {  	s29 =	simm.s32 $0xE200  }
0x126: {  	[tilespmem:s29], [sflag:$0x3] =	stream.indirect_vreg.gather [hbm4b:s5+s3], $0x80, v3, vm0, $0xb8;
	[tilespmem:$0x18200] =	vst v63  }
0x127: {  	s30 =	simm.s32 $0xEA00  }
0x128: {  	[tilespmem:s30], [sflag:$0x3] =	stream.indirect_vreg.gather [hbm4b:s6+s3], $0x80, v3, vm0, $0xb8;
	[tilespmem:$0x18200] =	vst v63  }
0x129: {  	v3 =	vld [tilespmem:$0xD0];
	_ =	sdelay $0x4  }
0x12a: {  	v45 =	vshrl.u32 v3, $0x3  }
0x12b: {  	v4 =	vmul.u32 $0x30, v45  }
0x12c: {  	v3 =	vand.u32 $0x7, v3  }
0x12d: {  	v3 =	vor.u32 v3, v4  }
0x12e: {  	v4 =	vperm.xlane v3, v0;
	_ =	sdelay $0x1  }
0x12f: {  	v4 =	vadd.s32 v1, v4;
	_ =	sdelay $0x3  }
0x130: {  	s31 =	simm.s32 $0xF200;
	v3 =	vperm.xlane v3, v2  }
0x131: {  	[tilespmem:s31], [sflag:$0x3] =	stream.indirect_vreg.gather [hbm4b:s2+s3], $0x80, v4, vm0, $0xb8;
	[tilespmem:$0x18200] =	vst v63  }
0x132: {  	s30 =	simm.s32 $0xFA00;
	v3 =	vadd.s32 v1, v3  }
0x133: {  	[tilespmem:s30], [sflag:$0x3] =	stream.indirect_vreg.gather [hbm4b:s5+s3], $0x80, v4, vm0, $0xb8;
	[tilespmem:$0x18200] =	vst v63  }
0x134: {  	s31 =	simm.s32 $0x10200  }
0x135: {  	[tilespmem:s31], [sflag:$0x3] =	stream.indirect_vreg.gather [hbm4b:s6+s3], $0x80, v4, vm0, $0xb8;
	[tilespmem:$0x18200] =	vst v63  }
0x136: {  	s18 =	simm.s32 $0x10A00  }
0x137: {  	[tilespmem:s18], [sflag:$0x3] =	stream.indirect_vreg.gather [hbm4b:s2+s3], $0x80, v3, vm0, $0xb8;
	[tilespmem:$0x18200] =	vst v63  }
0x138: {  	s19 =	simm.s32 $0x11200  }
0x139: {  	[tilespmem:s19], [sflag:$0x3] =	stream.indirect_vreg.gather [hbm4b:s5+s3], $0x80, v3, vm0, $0xb8;
	[tilespmem:$0x18200] =	vst v63  }
0x13a: {  	s16 =	simm.s32 $0x11A00  }
0x13b: {  	[tilespmem:s16], [sflag:$0x3] =	stream.indirect_vreg.gather [hbm4b:s6+s3], $0x80, v3, vm0, $0xb8;
	[tilespmem:$0x18200] =	vst v63  }
0x13c: {  	_ =	swait.ge [sflag:s14], $0x6000  }
0x13d: {  	[sflag:s14] =	ssyncset.done $0x0  }
0x13e: {  	s16 =	rddreg [dreg:$0x7];
	[sflag:s14] =	ssyncadd.s32 $0xFFFFA000  }
0x13f: {  	[hbm4b:s16+s3] =	stream.linear.scatter [tilespmem:s0], [sflag:$0x5], $0x6000, $0x38;
	[tilespmem:$0x18200] =	vst v63  }
0x140: {  	_ =	swait.ge [sflag:s8], $0x6000  }
0x141: {  	[sflag:s8] =	ssyncset.done $0x0  }
0x142: {  	[sflag:s8] =	ssyncadd.s32 $0xFFFFA000  }
0x143: {  	v3 =	vld [tilespmem:$0xE0];
	_ =	sdelay $0x4  }
0x144: {  	v46 =	vshrl.u32 v3, $0x3  }
0x145: {  	v4 =	vmul.u32 $0x30, v46  }
0x146: {  	v3 =	vand.u32 $0x7, v3  }
0x147: {  	v3 =	vor.u32 v3, v4  }
0x148: {  	v4 =	vperm.xlane v3, v0;
	_ =	sdelay $0x1  }
0x149: {  	v4 =	vadd.s32 v1, v4;
	_ =	sdelay $0x3  }
0x14a: {  	v3 =	vperm.xlane v3, v2  }
0x14b: {  	[tilespmem:s0], [sflag:$0x4] =	stream.indirect_vreg.gather [hbm4b:s2+s3], $0x80, v4, vm0, $0xb8;
	[tilespmem:$0x18200] =	vst v63  }
0x14c: {  	s16 =	simm.s32 $0x12A00;
	v3 =	vadd.s32 v1, v3  }
0x14d: {  	[tilespmem:s16], [sflag:$0x4] =	stream.indirect_vreg.gather [hbm4b:s5+s3], $0x80, v4, vm0, $0xb8;
	[tilespmem:$0x18200] =	vst v63  }
0x14e: {  	s16 =	simm.s32 $0x13200  }
0x14f: {  	[tilespmem:s16], [sflag:$0x4] =	stream.indirect_vreg.gather [hbm4b:s6+s3], $0x80, v4, vm0, $0xb8;
	[tilespmem:$0x18200] =	vst v63  }
0x150: {  	s16 =	simm.s32 $0x13A00  }
0x151: {  	[tilespmem:s16], [sflag:$0x4] =	stream.indirect_vreg.gather [hbm4b:s2+s3], $0x80, v3, vm0, $0xb8;
	[tilespmem:$0x18200] =	vst v63  }
0x152: {  	s16 =	simm.s32 $0x14200  }
0x153: {  	[tilespmem:s16], [sflag:$0x4] =	stream.indirect_vreg.gather [hbm4b:s5+s3], $0x80, v3, vm0, $0xb8;
	[tilespmem:$0x18200] =	vst v63  }
0x154: {  	s16 =	simm.s32 $0x14A00  }
0x155: {  	[tilespmem:s16], [sflag:$0x4] =	stream.indirect_vreg.gather [hbm4b:s6+s3], $0x80, v3, vm0, $0xb8;
	[tilespmem:$0x18200] =	vst v63  }
0x156: {  	v3 =	vld [tilespmem:$0xF0];
	_ =	sdelay $0x4  }
0x157: {  	v47 =	vshrl.u32 v3, $0x3  }
0x158: {  	v4 =	vmul.u32 $0x30, v47  }
0x159: {  	v3 =	vand.u32 $0x7, v3  }
0x15a: {  	v3 =	vor.u32 v3, v4  }
0x15b: {  	v4 =	vperm.xlane v3, v0;
	_ =	sdelay $0x1  }
0x15c: {  	v4 =	vadd.s32 v1, v4;
	_ =	sdelay $0x3  }
0x15d: {  	s16 =	simm.s32 $0x15200;
	v3 =	vperm.xlane v3, v2  }
0x15e: {  	[tilespmem:s16], [sflag:$0x4] =	stream.indirect_vreg.gather [hbm4b:s2+s3], $0x80, v4, vm0, $0xb8;
	[tilespmem:$0x18200] =	vst v63  }
0x15f: {  	v3 =	vadd.s32 v1, v3;
	s16 =	simm.s32 $0x15A00  }
0x160: {  	[tilespmem:s16], [sflag:$0x4] =	stream.indirect_vreg.gather [hbm4b:s5+s3], $0x80, v4, vm0, $0xb8;
	[tilespmem:$0x18200] =	vst v63  }
0x161: {  	s16 =	simm.s32 $0x16200  }
0x162: {  	[tilespmem:s16], [sflag:$0x4] =	stream.indirect_vreg.gather [hbm4b:s6+s3], $0x80, v4, vm0, $0xb8;
	[tilespmem:$0x18200] =	vst v63  }
0x163: {  	s16 =	simm.s32 $0x16A00  }
0x164: {  	[tilespmem:s16], [sflag:$0x4] =	stream.indirect_vreg.gather [hbm4b:s2+s3], $0x80, v3, vm0, $0xb8;
	[tilespmem:$0x18200] =	vst v63  }
0x165: {  	s16 =	simm.s32 $0x17200  }
0x166: {  	[tilespmem:s16], [sflag:$0x4] =	stream.indirect_vreg.gather [hbm4b:s5+s3], $0x80, v3, vm0, $0xb8;
	[tilespmem:$0x18200] =	vst v63  }
0x167: {  	s16 =	simm.s32 $0x17A00  }
0x168: {  	[tilespmem:s16], [sflag:$0x4] =	stream.indirect_vreg.gather [hbm4b:s6+s3], $0x80, v3, vm0, $0xb8;
	[tilespmem:$0x18200] =	vst v63  }
0x169: {  	_ =	swait.ge [sflag:s11], $0x6000  }
0x16a: {  	[sflag:s11] =	ssyncset.done $0x0  }
0x16b: {  	s16 =	rddreg [dreg:$0x8];
	[sflag:s11] =	ssyncadd.s32 $0xFFFFA000  }
0x16c: {  	[hbm4b:s16+s3] =	stream.linear.scatter [tilespmem:s21], [sflag:$0x5], $0x6000, $0x38;
	[tilespmem:$0x18200] =	vst v63  }
0x16d: {  	_ =	swait.ge [sflag:s8], $0x6000  }
0x16e: {  	[sflag:s8] =	ssyncset.done $0x0  }
0x16f: {  	[sflag:s8] =	ssyncadd.s32 $0xFFFFA000  }
0x170: {  	v3 =	vld [tilespmem:$0x100];
	_ =	sdelay $0x4  }
0x171: {  	v48 =	vshrl.u32 v3, $0x3  }
0x172: {  	v4 =	vmul.u32 $0x30, v48  }
0x173: {  	v3 =	vand.u32 $0x7, v3  }
0x174: {  	v3 =	vor.u32 v3, v4  }
0x175: {  	v4 =	vperm.xlane v3, v0;
	_ =	sdelay $0x1  }
0x176: {  	v4 =	vadd.s32 v1, v4;
	_ =	sdelay $0x3  }
0x177: {  	v3 =	vperm.xlane v3, v2  }
0x178: {  	[tilespmem:s21], [sflag:$0x1] =	stream.indirect_vreg.gather [hbm4b:s2+s3], $0x80, v4, vm0, $0xb8;
	[tilespmem:$0x18200] =	vst v63  }
0x179: {  	s16 =	simm.s32 $0xA00;
	v3 =	vadd.s32 v1, v3  }
0x17a: {  	[tilespmem:s16], [sflag:$0x1] =	stream.indirect_vreg.gather [hbm4b:s5+s3], $0x80, v4, vm0, $0xb8;
	[tilespmem:$0x18200] =	vst v63  }
0x17b: {  	s16 =	simm.s32 $0x1200  }
0x17c: {  	[tilespmem:s16], [sflag:$0x1] =	stream.indirect_vreg.gather [hbm4b:s6+s3], $0x80, v4, vm0, $0xb8;
	[tilespmem:$0x18200] =	vst v63  }
0x17d: {  	s16 =	simm.s32 $0x1A00  }
0x17e: {  	[tilespmem:s16], [sflag:$0x1] =	stream.indirect_vreg.gather [hbm4b:s2+s3], $0x80, v3, vm0, $0xb8;
	[tilespmem:$0x18200] =	vst v63  }
0x17f: {  	s16 =	simm.s32 $0x2200  }
0x180: {  	[tilespmem:s16], [sflag:$0x1] =	stream.indirect_vreg.gather [hbm4b:s5+s3], $0x80, v3, vm0, $0xb8;
	[tilespmem:$0x18200] =	vst v63  }
0x181: {  	s16 =	simm.s32 $0x2A00  }
0x182: {  	[tilespmem:s16], [sflag:$0x1] =	stream.indirect_vreg.gather [hbm4b:s6+s3], $0x80, v3, vm0, $0xb8;
	[tilespmem:$0x18200] =	vst v63  }
0x183: {  	v3 =	vld [tilespmem:$0x110];
	_ =	sdelay $0x4  }
0x184: {  	v49 =	vshrl.u32 v3, $0x3  }
0x185: {  	v4 =	vmul.u32 $0x30, v49  }
0x186: {  	v3 =	vand.u32 $0x7, v3  }
0x187: {  	v3 =	vor.u32 v3, v4  }
0x188: {  	v4 =	vperm.xlane v3, v0;
	_ =	sdelay $0x1  }
0x189: {  	v4 =	vadd.s32 v1, v4;
	_ =	sdelay $0x3  }
0x18a: {  	v3 =	vperm.xlane v3, v2  }
0x18b: {  	[tilespmem:s10], [sflag:$0x1] =	stream.indirect_vreg.gather [hbm4b:s2+s3], $0x80, v4, vm0, $0xb8;
	[tilespmem:$0x18200] =	vst v63  }
0x18c: {  	s15 =	simm.s32 $0x3A00;
	v3 =	vadd.s32 v1, v3  }
0x18d: {  	[tilespmem:s15], [sflag:$0x1] =	stream.indirect_vreg.gather [hbm4b:s5+s3], $0x80, v4, vm0, $0xb8;
	[tilespmem:$0x18200] =	vst v63  }
0x18e: {  	s17 =	simm.s32 $0x4200  }
0x18f: {  	[tilespmem:s17], [sflag:$0x1] =	stream.indirect_vreg.gather [hbm4b:s6+s3], $0x80, v4, vm0, $0xb8;
	[tilespmem:$0x18200] =	vst v63  }
0x190: {  	s15 =	simm.s32 $0x4A00  }
0x191: {  	[tilespmem:s15], [sflag:$0x1] =	stream.indirect_vreg.gather [hbm4b:s2+s3], $0x80, v3, vm0, $0xb8;
	[tilespmem:$0x18200] =	vst v63  }
0x192: {  	s17 =	simm.s32 $0x5200  }
0x193: {  	[tilespmem:s17], [sflag:$0x1] =	stream.indirect_vreg.gather [hbm4b:s5+s3], $0x80, v3, vm0, $0xb8;
	[tilespmem:$0x18200] =	vst v63  }
0x194: {  	_ = 	snop  }
0x195: {  	[tilespmem:s28], [sflag:$0x1] =	stream.indirect_vreg.gather [hbm4b:s6+s3], $0x80, v3, vm0, $0xb8;
	[tilespmem:$0x18200] =	vst v63  }
0x196: {  	_ =	swait.ge [sflag:s12], $0x6000  }
0x197: {  	[sflag:s12] =	ssyncset.done $0x0  }
0x198: {  	s10 =	rddreg [dreg:$0x9];
	[sflag:s12] =	ssyncadd.s32 $0xFFFFA000  }
0x199: {  	[hbm4b:s10+s3] =	stream.linear.scatter [tilespmem:s4], [sflag:$0x5], $0x6000, $0x38;
	[tilespmem:$0x18200] =	vst v63  }
0x19a: {  	_ =	swait.ge [sflag:s8], $0x6000  }
0x19b: {  	[sflag:s8] =	ssyncset.done $0x0  }
0x19c: {  	[sflag:s8] =	ssyncadd.s32 $0xFFFFA000  }
0x19d: {  	v3 =	vld [tilespmem:$0x120];
	_ =	sdelay $0x4  }
0x19e: {  	v50 =	vshrl.u32 v3, $0x3  }
0x19f: {  	v4 =	vmul.u32 $0x30, v50  }
0x1a0: {  	v3 =	vand.u32 $0x7, v3  }
0x1a1: {  	v3 =	vor.u32 v3, v4  }
0x1a2: {  	v4 =	vperm.xlane v3, v0;
	_ =	sdelay $0x1  }
0x1a3: {  	v4 =	vadd.s32 v1, v4;
	_ =	sdelay $0x3  }
0x1a4: {  	v3 =	vperm.xlane v3, v2  }
0x1a5: {  	[tilespmem:s4], [sflag:$0x2] =	stream.indirect_vreg.gather [hbm4b:s2+s3], $0x80, v4, vm0, $0xb8;
	[tilespmem:$0x18200] =	vst v63  }
0x1a6: {  	s15 =	simm.s32 $0x6A00;
	v3 =	vadd.s32 v1, v3  }
0x1a7: {  	[tilespmem:s15], [sflag:$0x2] =	stream.indirect_vreg.gather [hbm4b:s5+s3], $0x80, v4, vm0, $0xb8;
	[tilespmem:$0x18200] =	vst v63  }
0x1a8: {  	s28 =	simm.s32 $0x7200  }
0x1a9: {  	[tilespmem:s28], [sflag:$0x2] =	stream.indirect_vreg.gather [hbm4b:s6+s3], $0x80, v4, vm0, $0xb8;
	[tilespmem:$0x18200] =	vst v63  }
0x1aa: {  	s15 =	simm.s32 $0x7A00  }
0x1ab: {  	[tilespmem:s15], [sflag:$0x2] =	stream.indirect_vreg.gather [hbm4b:s2+s3], $0x80, v3, vm0, $0xb8;
	[tilespmem:$0x18200] =	vst v63  }
0x1ac: {  	s28 =	simm.s32 $0x8200  }
0x1ad: {  	[tilespmem:s28], [sflag:$0x2] =	stream.indirect_vreg.gather [hbm4b:s5+s3], $0x80, v3, vm0, $0xb8;
	[tilespmem:$0x18200] =	vst v63  }
0x1ae: {  	s15 =	simm.s32 $0x8A00  }
0x1af: {  	[tilespmem:s15], [sflag:$0x2] =	stream.indirect_vreg.gather [hbm4b:s6+s3], $0x80, v3, vm0, $0xb8;
	[tilespmem:$0x18200] =	vst v63  }
0x1b0: {  	v3 =	vld [tilespmem:$0x130];
	_ =	sdelay $0x4  }
0x1b1: {  	v51 =	vshrl.u32 v3, $0x3  }
0x1b2: {  	v4 =	vmul.u32 $0x30, v51  }
0x1b3: {  	v3 =	vand.u32 $0x7, v3  }
0x1b4: {  	v3 =	vor.u32 v3, v4  }
0x1b5: {  	v4 =	vperm.xlane v3, v0;
	_ =	sdelay $0x1  }
0x1b6: {  	v4 =	vadd.s32 v1, v4;
	_ =	sdelay $0x3  }
0x1b7: {  	s28 =	simm.s32 $0x9200;
	v3 =	vperm.xlane v3, v2  }
0x1b8: {  	[tilespmem:s28], [sflag:$0x2] =	stream.indirect_vreg.gather [hbm4b:s2+s3], $0x80, v4, vm0, $0xb8;
	[tilespmem:$0x18200] =	vst v63  }
0x1b9: {  	s15 =	simm.s32 $0x9A00;
	v3 =	vadd.s32 v1, v3  }
0x1ba: {  	[tilespmem:s15], [sflag:$0x2] =	stream.indirect_vreg.gather [hbm4b:s5+s3], $0x80, v4, vm0, $0xb8;
	[tilespmem:$0x18200] =	vst v63  }
0x1bb: {  	_ = 	snop  }
0x1bc: {  	[tilespmem:s23], [sflag:$0x2] =	stream.indirect_vreg.gather [hbm4b:s6+s3], $0x80, v4, vm0, $0xb8;
	[tilespmem:$0x18200] =	vst v63  }
0x1bd: {  	_ = 	snop  }
0x1be: {  	[tilespmem:s24], [sflag:$0x2] =	stream.indirect_vreg.gather [hbm4b:s2+s3], $0x80, v3, vm0, $0xb8;
	[tilespmem:$0x18200] =	vst v63  }
0x1bf: {  	_ = 	snop  }
0x1c0: {  	[tilespmem:s25], [sflag:$0x2] =	stream.indirect_vreg.gather [hbm4b:s5+s3], $0x80, v3, vm0, $0xb8;
	[tilespmem:$0x18200] =	vst v63  }
0x1c1: {  	_ = 	snop  }
0x1c2: {  	[tilespmem:s26], [sflag:$0x2] =	stream.indirect_vreg.gather [hbm4b:s6+s3], $0x80, v3, vm0, $0xb8;
	[tilespmem:$0x18200] =	vst v63  }
0x1c3: {  	_ =	swait.ge [sflag:s13], $0x6000  }
0x1c4: {  	[sflag:s13] =	ssyncset.done $0x0  }
0x1c5: {  	s28 =	rddreg [dreg:$0xa];
	[sflag:s13] =	ssyncadd.s32 $0xFFFFA000  }
0x1c6: {  	[hbm4b:s28+s3] =	stream.linear.scatter [tilespmem:s22], [sflag:$0x5], $0x6000, $0x38;
	[tilespmem:$0x18200] =	vst v63  }
0x1c7: {  	_ =	swait.ge [sflag:s8], $0x6000  }
0x1c8: {  	[sflag:s8] =	ssyncset.done $0x0  }
0x1c9: {  	[sflag:s8] =	ssyncadd.s32 $0xFFFFA000  }
0x1ca: {  	v3 =	vld [tilespmem:$0x140];
	_ =	sdelay $0x4  }
0x1cb: {  	v52 =	vshrl.u32 v3, $0x3  }
0x1cc: {  	v4 =	vmul.u32 $0x30, v52  }
0x1cd: {  	v3 =	vand.u32 $0x7, v3  }
0x1ce: {  	v3 =	vor.u32 v3, v4  }
0x1cf: {  	v4 =	vperm.xlane v3, v0;
	_ =	sdelay $0x1  }
0x1d0: {  	v4 =	vadd.s32 v1, v4;
	_ =	sdelay $0x3  }
0x1d1: {  	v3 =	vperm.xlane v3, v2  }
0x1d2: {  	[tilespmem:s22], [sflag:$0x3] =	stream.indirect_vreg.gather [hbm4b:s2+s3], $0x80, v4, vm0, $0xb8;
	[tilespmem:$0x18200] =	vst v63  }
0x1d3: {  	v3 =	vadd.s32 v1, v3  }
0x1d4: {  	[tilespmem:s20], [sflag:$0x3] =	stream.indirect_vreg.gather [hbm4b:s5+s3], $0x80, v4, vm0, $0xb8;
	[tilespmem:$0x18200] =	vst v63  }
0x1d5: {  	_ = 	snop  }
0x1d6: {  	[tilespmem:s1], [sflag:$0x3] =	stream.indirect_vreg.gather [hbm4b:s6+s3], $0x80, v4, vm0, $0xb8;
	[tilespmem:$0x18200] =	vst v63  }
0x1d7: {  	_ = 	snop  }
0x1d8: {  	[tilespmem:s9], [sflag:$0x3] =	stream.indirect_vreg.gather [hbm4b:s2+s3], $0x80, v3, vm0, $0xb8;
	[tilespmem:$0x18200] =	vst v63  }
0x1d9: {  	_ = 	snop  }
0x1da: {  	[tilespmem:s29], [sflag:$0x3] =	stream.indirect_vreg.gather [hbm4b:s5+s3], $0x80, v3, vm0, $0xb8;
	[tilespmem:$0x18200] =	vst v63  }
0x1db: {  	s25 =	simm.s32 $0xEA00  }
0x1dc: {  	[tilespmem:s25], [sflag:$0x3] =	stream.indirect_vreg.gather [hbm4b:s6+s3], $0x80, v3, vm0, $0xb8;
	[tilespmem:$0x18200] =	vst v63  }
0x1dd: {  	v3 =	vld [tilespmem:$0x150];
	_ =	sdelay $0x4  }
0x1de: {  	v53 =	vshrl.u32 v3, $0x3  }
0x1df: {  	v4 =	vmul.u32 $0x30, v53  }
0x1e0: {  	v3 =	vand.u32 $0x7, v3  }
0x1e1: {  	v3 =	vor.u32 v3, v4  }
0x1e2: {  	v4 =	vperm.xlane v3, v0;
	_ =	sdelay $0x1  }
0x1e3: {  	v4 =	vadd.s32 v1, v4;
	_ =	sdelay $0x3  }
0x1e4: {  	s29 =	simm.s32 $0xF200;
	v3 =	vperm.xlane v3, v2  }
0x1e5: {  	[tilespmem:s29], [sflag:$0x3] =	stream.indirect_vreg.gather [hbm4b:s2+s3], $0x80, v4, vm0, $0xb8;
	[tilespmem:$0x18200] =	vst v63  }
0x1e6: {  	v3 =	vadd.s32 v1, v3  }
0x1e7: {  	[tilespmem:s30], [sflag:$0x3] =	stream.indirect_vreg.gather [hbm4b:s5+s3], $0x80, v4, vm0, $0xb8;
	[tilespmem:$0x18200] =	vst v63  }
0x1e8: {  	_ = 	snop  }
0x1e9: {  	[tilespmem:s31], [sflag:$0x3] =	stream.indirect_vreg.gather [hbm4b:s6+s3], $0x80, v4, vm0, $0xb8;
	[tilespmem:$0x18200] =	vst v63  }
0x1ea: {  	_ = 	snop  }
0x1eb: {  	[tilespmem:s18], [sflag:$0x3] =	stream.indirect_vreg.gather [hbm4b:s2+s3], $0x80, v3, vm0, $0xb8;
	[tilespmem:$0x18200] =	vst v63  }
0x1ec: {  	_ = 	snop  }
0x1ed: {  	[tilespmem:s19], [sflag:$0x3] =	stream.indirect_vreg.gather [hbm4b:s5+s3], $0x80, v3, vm0, $0xb8;
	[tilespmem:$0x18200] =	vst v63  }
0x1ee: {  	s30 =	simm.s32 $0x11A00  }
0x1ef: {  	[tilespmem:s30], [sflag:$0x3] =	stream.indirect_vreg.gather [hbm4b:s6+s3], $0x80, v3, vm0, $0xb8;
	[tilespmem:$0x18200] =	vst v63  }
0x1f0: {  	_ =	swait.ge [sflag:s14], $0x6000  }
0x1f1: {  	[sflag:s14] =	ssyncset.done $0x0  }
0x1f2: {  	s31 =	rddreg [dreg:$0xb];
	[sflag:s14] =	ssyncadd.s32 $0xFFFFA000  }
0x1f3: {  	[hbm4b:s31+s3] =	stream.linear.scatter [tilespmem:s0], [sflag:$0x5], $0x6000, $0x38;
	[tilespmem:$0x18200] =	vst v63  }
0x1f4: {  	_ =	swait.ge [sflag:s8], $0x6000  }
0x1f5: {  	[sflag:s8] =	ssyncset.done $0x0  }
0x1f6: {  	[sflag:s8] =	ssyncadd.s32 $0xFFFFA000  }
0x1f7: {  	v3 =	vld [tilespmem:$0x160];
	_ =	sdelay $0x4  }
0x1f8: {  	v54 =	vshrl.u32 v3, $0x3  }
0x1f9: {  	v4 =	vmul.u32 $0x30, v54  }
0x1fa: {  	v3 =	vand.u32 $0x7, v3  }
0x1fb: {  	v3 =	vor.u32 v3, v4  }
0x1fc: {  	v4 =	vperm.xlane v3, v0;
	_ =	sdelay $0x1  }
0x1fd: {  	v4 =	vadd.s32 v1, v4;
	_ =	sdelay $0x3  }
0x1fe: {  	v3 =	vperm.xlane v3, v2  }
0x1ff: {  	[tilespmem:s0], [sflag:$0x4] =	stream.indirect_vreg.gather [hbm4b:s2+s3], $0x80, v4, vm0, $0xb8;
	[tilespmem:$0x18200] =	vst v63  }
0x200: {  	s30 =	simm.s32 $0x12A00;
	v3 =	vadd.s32 v1, v3  }
0x201: {  	[tilespmem:s30], [sflag:$0x4] =	stream.indirect_vreg.gather [hbm4b:s5+s3], $0x80, v4, vm0, $0xb8;
	[tilespmem:$0x18200] =	vst v63  }
0x202: {  	s31 =	simm.s32 $0x13200  }
0x203: {  	[tilespmem:s31], [sflag:$0x4] =	stream.indirect_vreg.gather [hbm4b:s6+s3], $0x80, v4, vm0, $0xb8;
	[tilespmem:$0x18200] =	vst v63  }
0x204: {  	s15 =	simm.s32 $0x13A00  }
0x205: {  	[tilespmem:s15], [sflag:$0x4] =	stream.indirect_vreg.gather [hbm4b:s2+s3], $0x80, v3, vm0, $0xb8;
	[tilespmem:$0x18200] =	vst v63  }
0x206: {  	s15 =	simm.s32 $0x14200  }
0x207: {  	[tilespmem:s15], [sflag:$0x4] =	stream.indirect_vreg.gather [hbm4b:s5+s3], $0x80, v3, vm0, $0xb8;
	[tilespmem:$0x18200] =	vst v63  }
0x208: {  	s15 =	simm.s32 $0x14A00  }
0x209: {  	[tilespmem:s15], [sflag:$0x4] =	stream.indirect_vreg.gather [hbm4b:s6+s3], $0x80, v3, vm0, $0xb8;
	[tilespmem:$0x18200] =	vst v63  }
0x20a: {  	v3 =	vld [tilespmem:$0x170];
	_ =	sdelay $0x4  }
0x20b: {  	v55 =	vshrl.u32 v3, $0x3  }
0x20c: {  	v4 =	vmul.u32 $0x30, v55  }
0x20d: {  	v3 =	vand.u32 $0x7, v3  }
0x20e: {  	v3 =	vor.u32 v3, v4  }
0x20f: {  	v4 =	vperm.xlane v3, v0;
	_ =	sdelay $0x1  }
0x210: {  	v4 =	vadd.s32 v1, v4;
	_ =	sdelay $0x3  }
0x211: {  	s15 =	simm.s32 $0x15200;
	v3 =	vperm.xlane v3, v2  }
0x212: {  	[tilespmem:s15], [sflag:$0x4] =	stream.indirect_vreg.gather [hbm4b:s2+s3], $0x80, v4, vm0, $0xb8;
	[tilespmem:$0x18200] =	vst v63  }
0x213: {  	v3 =	vadd.s32 v1, v3;
	s15 =	simm.s32 $0x15A00  }
0x214: {  	[tilespmem:s15], [sflag:$0x4] =	stream.indirect_vreg.gather [hbm4b:s5+s3], $0x80, v4, vm0, $0xb8;
	[tilespmem:$0x18200] =	vst v63  }
0x215: {  	s15 =	simm.s32 $0x16200  }
0x216: {  	[tilespmem:s15], [sflag:$0x4] =	stream.indirect_vreg.gather [hbm4b:s6+s3], $0x80, v4, vm0, $0xb8;
	[tilespmem:$0x18200] =	vst v63  }
0x217: {  	s15 =	simm.s32 $0x16A00  }
0x218: {  	[tilespmem:s15], [sflag:$0x4] =	stream.indirect_vreg.gather [hbm4b:s2+s3], $0x80, v3, vm0, $0xb8;
	[tilespmem:$0x18200] =	vst v63  }
0x219: {  	s15 =	simm.s32 $0x17200  }
0x21a: {  	[tilespmem:s15], [sflag:$0x4] =	stream.indirect_vreg.gather [hbm4b:s5+s3], $0x80, v3, vm0, $0xb8;
	[tilespmem:$0x18200] =	vst v63  }
0x21b: {  	s15 =	simm.s32 $0x17A00  }
0x21c: {  	[tilespmem:s15], [sflag:$0x4] =	stream.indirect_vreg.gather [hbm4b:s6+s3], $0x80, v3, vm0, $0xb8;
	[tilespmem:$0x18200] =	vst v63  }
0x21d: {  	_ =	swait.ge [sflag:s11], $0x6000  }
0x21e: {  	[sflag:s11] =	ssyncset.done $0x0  }
0x21f: {  	s15 =	rddreg [dreg:$0xc];
	[sflag:s11] =	ssyncadd.s32 $0xFFFFA000  }
0x220: {  	[hbm4b:s15+s3] =	stream.linear.scatter [tilespmem:s21], [sflag:$0x5], $0x6000, $0x38;
	[tilespmem:$0x18200] =	vst v63  }
0x221: {  	_ =	swait.ge [sflag:s8], $0x6000  }
0x222: {  	[sflag:s8] =	ssyncset.done $0x0  }
0x223: {  	[sflag:s8] =	ssyncadd.s32 $0xFFFFA000  }
0x224: {  	v3 =	vld [tilespmem:$0x180];
	_ =	sdelay $0x4  }
0x225: {  	v56 =	vshrl.u32 v3, $0x3  }
0x226: {  	v4 =	vmul.u32 $0x30, v56  }
0x227: {  	v3 =	vand.u32 $0x7, v3  }
0x228: {  	v3 =	vor.u32 v3, v4  }
0x229: {  	v4 =	vperm.xlane v3, v0;
	_ =	sdelay $0x1  }
0x22a: {  	v4 =	vadd.s32 v1, v4;
	_ =	sdelay $0x3  }
0x22b: {  	v3 =	vperm.xlane v3, v2  }
0x22c: {  	[tilespmem:s21], [sflag:$0x1] =	stream.indirect_vreg.gather [hbm4b:s2+s3], $0x80, v4, vm0, $0xb8;
	[tilespmem:$0x18200] =	vst v63  }
0x22d: {  	s15 =	simm.s32 $0xA00;
	v3 =	vadd.s32 v1, v3  }
0x22e: {  	[tilespmem:s15], [sflag:$0x1] =	stream.indirect_vreg.gather [hbm4b:s5+s3], $0x80, v4, vm0, $0xb8;
	[tilespmem:$0x18200] =	vst v63  }
0x22f: {  	s15 =	simm.s32 $0x1200  }
0x230: {  	[tilespmem:s15], [sflag:$0x1] =	stream.indirect_vreg.gather [hbm4b:s6+s3], $0x80, v4, vm0, $0xb8;
	[tilespmem:$0x18200] =	vst v63  }
0x231: {  	s15 =	simm.s32 $0x1A00  }
0x232: {  	[tilespmem:s15], [sflag:$0x1] =	stream.indirect_vreg.gather [hbm4b:s2+s3], $0x80, v3, vm0, $0xb8;
	[tilespmem:$0x18200] =	vst v63  }
0x233: {  	s15 =	simm.s32 $0x2200  }
0x234: {  	[tilespmem:s15], [sflag:$0x1] =	stream.indirect_vreg.gather [hbm4b:s5+s3], $0x80, v3, vm0, $0xb8;
	[tilespmem:$0x18200] =	vst v63  }
0x235: {  	s15 =	simm.s32 $0x2A00  }
0x236: {  	[tilespmem:s15], [sflag:$0x1] =	stream.indirect_vreg.gather [hbm4b:s6+s3], $0x80, v3, vm0, $0xb8;
	[tilespmem:$0x18200] =	vst v63  }
0x237: {  	v3 =	vld [tilespmem:$0x190];
	_ =	sdelay $0x4  }
0x238: {  	v57 =	vshrl.u32 v3, $0x3  }
0x239: {  	v4 =	vmul.u32 $0x30, v57  }
0x23a: {  	v3 =	vand.u32 $0x7, v3  }
0x23b: {  	v3 =	vor.u32 v3, v4  }
0x23c: {  	v4 =	vperm.xlane v3, v0;
	_ =	sdelay $0x1  }
0x23d: {  	v4 =	vadd.s32 v1, v4;
	_ =	sdelay $0x3  }
0x23e: {  	s16 =	simm.s32 $0x3200;
	v3 =	vperm.xlane v3, v2  }
0x23f: {  	[tilespmem:s16], [sflag:$0x1] =	stream.indirect_vreg.gather [hbm4b:s2+s3], $0x80, v4, vm0, $0xb8;
	[tilespmem:$0x18200] =	vst v63  }
0x240: {  	v3 =	vadd.s32 v1, v3;
	s16 =	simm.s32 $0x3A00  }
0x241: {  	[tilespmem:s16], [sflag:$0x1] =	stream.indirect_vreg.gather [hbm4b:s5+s3], $0x80, v4, vm0, $0xb8;
	[tilespmem:$0x18200] =	vst v63  }
0x242: {  	s16 =	simm.s32 $0x4200  }
0x243: {  	[tilespmem:s16], [sflag:$0x1] =	stream.indirect_vreg.gather [hbm4b:s6+s3], $0x80, v4, vm0, $0xb8;
	[tilespmem:$0x18200] =	vst v63  }
0x244: {  	s16 =	simm.s32 $0x4A00  }
0x245: {  	[tilespmem:s16], [sflag:$0x1] =	stream.indirect_vreg.gather [hbm4b:s2+s3], $0x80, v3, vm0, $0xb8;
	[tilespmem:$0x18200] =	vst v63  }
0x246: {  	s16 =	simm.s32 $0x5200  }
0x247: {  	[tilespmem:s16], [sflag:$0x1] =	stream.indirect_vreg.gather [hbm4b:s5+s3], $0x80, v3, vm0, $0xb8;
	[tilespmem:$0x18200] =	vst v63  }
0x248: {  	s17 =	simm.s32 $0x5A00  }
0x249: {  	[tilespmem:s17], [sflag:$0x1] =	stream.indirect_vreg.gather [hbm4b:s6+s3], $0x80, v3, vm0, $0xb8;
	[tilespmem:$0x18200] =	vst v63  }
0x24a: {  	_ =	swait.ge [sflag:s12], $0x6000  }
0x24b: {  	[sflag:s12] =	ssyncset.done $0x0  }
0x24c: {  	s16 =	rddreg [dreg:$0xd];
	[sflag:s12] =	ssyncadd.s32 $0xFFFFA000  }
0x24d: {  	[hbm4b:s16+s3] =	stream.linear.scatter [tilespmem:s4], [sflag:$0x5], $0x6000, $0x38;
	[tilespmem:$0x18200] =	vst v63  }
0x24e: {  	_ =	swait.ge [sflag:s8], $0x6000  }
0x24f: {  	[sflag:s8] =	ssyncset.done $0x0  }
0x250: {  	[sflag:s8] =	ssyncadd.s32 $0xFFFFA000  }
0x251: {  	v3 =	vld [tilespmem:$0x1A0];
	_ =	sdelay $0x4  }
0x252: {  	v58 =	vshrl.u32 v3, $0x3  }
0x253: {  	v4 =	vmul.u32 $0x30, v58  }
0x254: {  	v3 =	vand.u32 $0x7, v3  }
0x255: {  	v3 =	vor.u32 v3, v4  }
0x256: {  	v4 =	vperm.xlane v3, v0;
	_ =	sdelay $0x1  }
0x257: {  	v4 =	vadd.s32 v1, v4;
	_ =	sdelay $0x3  }
0x258: {  	v3 =	vperm.xlane v3, v2  }
0x259: {  	[tilespmem:s4], [sflag:$0x2] =	stream.indirect_vreg.gather [hbm4b:s2+s3], $0x80, v4, vm0, $0xb8;
	[tilespmem:$0x18200] =	vst v63  }
0x25a: {  	s17 =	simm.s32 $0x6A00;
	v3 =	vadd.s32 v1, v3  }
0x25b: {  	[tilespmem:s17], [sflag:$0x2] =	stream.indirect_vreg.gather [hbm4b:s5+s3], $0x80, v4, vm0, $0xb8;
	[tilespmem:$0x18200] =	vst v63  }
0x25c: {  	s16 =	simm.s32 $0x7200  }
0x25d: {  	[tilespmem:s16], [sflag:$0x2] =	stream.indirect_vreg.gather [hbm4b:s6+s3], $0x80, v4, vm0, $0xb8;
	[tilespmem:$0x18200] =	vst v63  }
0x25e: {  	s17 =	simm.s32 $0x7A00  }
0x25f: {  	[tilespmem:s17], [sflag:$0x2] =	stream.indirect_vreg.gather [hbm4b:s2+s3], $0x80, v3, vm0, $0xb8;
	[tilespmem:$0x18200] =	vst v63  }
0x260: {  	s16 =	simm.s32 $0x8200  }
0x261: {  	[tilespmem:s16], [sflag:$0x2] =	stream.indirect_vreg.gather [hbm4b:s5+s3], $0x80, v3, vm0, $0xb8;
	[tilespmem:$0x18200] =	vst v63  }
0x262: {  	s17 =	simm.s32 $0x8A00  }
0x263: {  	[tilespmem:s17], [sflag:$0x2] =	stream.indirect_vreg.gather [hbm4b:s6+s3], $0x80, v3, vm0, $0xb8;
	[tilespmem:$0x18200] =	vst v63  }
0x264: {  	v3 =	vld [tilespmem:$0x1B0];
	_ =	sdelay $0x4  }
0x265: {  	v59 =	vshrl.u32 v3, $0x3  }
0x266: {  	v4 =	vmul.u32 $0x30, v59  }
0x267: {  	v3 =	vand.u32 $0x7, v3  }
0x268: {  	v3 =	vor.u32 v3, v4  }
0x269: {  	v4 =	vperm.xlane v3, v0;
	_ =	sdelay $0x1  }
0x26a: {  	v4 =	vadd.s32 v1, v4;
	_ =	sdelay $0x3  }
0x26b: {  	s16 =	simm.s32 $0x9200;
	v3 =	vperm.xlane v3, v2  }
0x26c: {  	[tilespmem:s16], [sflag:$0x2] =	stream.indirect_vreg.gather [hbm4b:s2+s3], $0x80, v4, vm0, $0xb8;
	[tilespmem:$0x18200] =	vst v63  }
0x26d: {  	s17 =	simm.s32 $0x9A00;
	v3 =	vadd.s32 v1, v3  }
0x26e: {  	[tilespmem:s17], [sflag:$0x2] =	stream.indirect_vreg.gather [hbm4b:s5+s3], $0x80, v4, vm0, $0xb8;
	[tilespmem:$0x18200] =	vst v63  }
0x26f: {  	s23 =	simm.s32 $0xA200  }
0x270: {  	[tilespmem:s23], [sflag:$0x2] =	stream.indirect_vreg.gather [hbm4b:s6+s3], $0x80, v4, vm0, $0xb8;
	[tilespmem:$0x18200] =	vst v63  }
0x271: {  	s24 =	simm.s32 $0xAA00  }
0x272: {  	[tilespmem:s24], [sflag:$0x2] =	stream.indirect_vreg.gather [hbm4b:s2+s3], $0x80, v3, vm0, $0xb8;
	[tilespmem:$0x18200] =	vst v63  }
0x273: {  	s10 =	simm.s32 $0xB200  }
0x274: {  	[tilespmem:s10], [sflag:$0x2] =	stream.indirect_vreg.gather [hbm4b:s5+s3], $0x80, v3, vm0, $0xb8;
	[tilespmem:$0x18200] =	vst v63  }
0x275: {  	s26 =	simm.s32 $0xBA00  }
0x276: {  	[tilespmem:s26], [sflag:$0x2] =	stream.indirect_vreg.gather [hbm4b:s6+s3], $0x80, v3, vm0, $0xb8;
	[tilespmem:$0x18200] =	vst v63  }
0x277: {  	_ =	swait.ge [sflag:s13], $0x6000  }
0x278: {  	[sflag:s13] =	ssyncset.done $0x0  }
0x279: {  	s24 =	rddreg [dreg:$0xe];
	[sflag:s13] =	ssyncadd.s32 $0xFFFFA000  }
0x27a: {  	[hbm4b:s24+s3] =	stream.linear.scatter [tilespmem:s22], [sflag:$0x5], $0x6000, $0x38;
	[tilespmem:$0x18200] =	vst v63  }
0x27b: {  	_ =	swait.ge [sflag:s8], $0x6000  }
0x27c: {  	[sflag:s8] =	ssyncset.done $0x0  }
0x27d: {  	[sflag:s8] =	ssyncadd.s32 $0xFFFFA000  }
0x27e: {  	v3 =	vld [tilespmem:$0x1C0];
	_ =	sdelay $0x4  }
0x27f: {  	v60 =	vshrl.u32 v3, $0x3  }
0x280: {  	v4 =	vmul.u32 $0x30, v60  }
0x281: {  	v3 =	vand.u32 $0x7, v3  }
0x282: {  	v3 =	vor.u32 v3, v4  }
0x283: {  	v4 =	vperm.xlane v3, v0;
	_ =	sdelay $0x1  }
0x284: {  	v4 =	vadd.s32 v1, v4;
	_ =	sdelay $0x3  }
0x285: {  	v3 =	vperm.xlane v3, v2  }
0x286: {  	[tilespmem:s22], [sflag:$0x3] =	stream.indirect_vreg.gather [hbm4b:s2+s3], $0x80, v4, vm0, $0xb8;
	[tilespmem:$0x18200] =	vst v63  }
0x287: {  	s20 =	simm.s32 $0xCA00;
	v3 =	vadd.s32 v1, v3  }
0x288: {  	[tilespmem:s20], [sflag:$0x3] =	stream.indirect_vreg.gather [hbm4b:s5+s3], $0x80, v4, vm0, $0xb8;
	[tilespmem:$0x18200] =	vst v63  }
0x289: {  	s1 =	simm.s32 $0xD200  }
0x28a: {  	[tilespmem:s1], [sflag:$0x3] =	stream.indirect_vreg.gather [hbm4b:s6+s3], $0x80, v4, vm0, $0xb8;
	[tilespmem:$0x18200] =	vst v63  }
0x28b: {  	s9 =	simm.s32 $0xDA00  }
0x28c: {  	[tilespmem:s9], [sflag:$0x3] =	stream.indirect_vreg.gather [hbm4b:s2+s3], $0x80, v3, vm0, $0xb8;
	[tilespmem:$0x18200] =	vst v63  }
0x28d: {  	s28 =	simm.s32 $0xE200  }
0x28e: {  	[tilespmem:s28], [sflag:$0x3] =	stream.indirect_vreg.gather [hbm4b:s5+s3], $0x80, v3, vm0, $0xb8;
	[tilespmem:$0x18200] =	vst v63  }
0x28f: {  	s26 =	simm.s32 $0xEA00  }
0x290: {  	[tilespmem:s26], [sflag:$0x3] =	stream.indirect_vreg.gather [hbm4b:s6+s3], $0x80, v3, vm0, $0xb8;
	[tilespmem:$0x18200] =	vst v63  }
0x291: {  	v3 =	vld [tilespmem:$0x1D0];
	_ =	sdelay $0x4  }
0x292: {  	v61 =	vshrl.u32 v3, $0x3  }
0x293: {  	v4 =	vmul.u32 $0x30, v61  }
0x294: {  	v3 =	vand.u32 $0x7, v3  }
0x295: {  	v3 =	vor.u32 v3, v4  }
0x296: {  	v4 =	vperm.xlane v3, v0;
	_ =	sdelay $0x1  }
0x297: {  	v4 =	vadd.s32 v1, v4;
	_ =	sdelay $0x3  }
0x298: {  	s28 =	simm.s32 $0xF200;
	v3 =	vperm.xlane v3, v2  }
0x299: {  	[tilespmem:s28], [sflag:$0x3] =	stream.indirect_vreg.gather [hbm4b:s2+s3], $0x80, v4, vm0, $0xb8;
	[tilespmem:$0x18200] =	vst v63  }
0x29a: {  	s25 =	simm.s32 $0xFA00;
	v3 =	vadd.s32 v1, v3  }
0x29b: {  	[tilespmem:s25], [sflag:$0x3] =	stream.indirect_vreg.gather [hbm4b:s5+s3], $0x80, v4, vm0, $0xb8;
	[tilespmem:$0x18200] =	vst v63  }
0x29c: {  	s29 =	simm.s32 $0x10200  }
0x29d: {  	[tilespmem:s29], [sflag:$0x3] =	stream.indirect_vreg.gather [hbm4b:s6+s3], $0x80, v4, vm0, $0xb8;
	[tilespmem:$0x18200] =	vst v63  }
0x29e: {  	s18 =	simm.s32 $0x10A00  }
0x29f: {  	[tilespmem:s18], [sflag:$0x3] =	stream.indirect_vreg.gather [hbm4b:s2+s3], $0x80, v3, vm0, $0xb8;
	[tilespmem:$0x18200] =	vst v63  }
0x2a0: {  	s19 =	simm.s32 $0x11200  }
0x2a1: {  	[tilespmem:s19], [sflag:$0x3] =	stream.indirect_vreg.gather [hbm4b:s5+s3], $0x80, v3, vm0, $0xb8;
	[tilespmem:$0x18200] =	vst v63  }
0x2a2: {  	s9 =	simm.s32 $0x11A00  }
0x2a3: {  	[tilespmem:s9], [sflag:$0x3] =	stream.indirect_vreg.gather [hbm4b:s6+s3], $0x80, v3, vm0, $0xb8;
	[tilespmem:$0x18200] =	vst v63  }
0x2a4: {  	_ =	swait.ge [sflag:s14], $0x6000  }
0x2a5: {  	[sflag:s14] =	ssyncset.done $0x0  }
0x2a6: {  	s10 =	rddreg [dreg:$0xf];
	[sflag:s14] =	ssyncadd.s32 $0xFFFFA000  }
0x2a7: {  	[hbm4b:s10+s3] =	stream.linear.scatter [tilespmem:s0], [sflag:$0x5], $0x6000, $0x38;
	[tilespmem:$0x18200] =	vst v63  }
0x2a8: {  	_ =	swait.ge [sflag:s8], $0x6000  }
0x2a9: {  	[sflag:s8] =	ssyncset.done $0x0  }
0x2aa: {  	[sflag:s8] =	ssyncadd.s32 $0xFFFFA000  }
0x2ab: {  	v3 =	vld [tilespmem:$0x1E0];
	_ =	sdelay $0x4  }
0x2ac: {  	v62 =	vshrl.u32 v3, $0x3  }
0x2ad: {  	v4 =	vmul.u32 $0x30, v62  }
0x2ae: {  	v3 =	vand.u32 $0x7, v3  }
0x2af: {  	v3 =	vor.u32 v3, v4  }
0x2b0: {  	v4 =	vperm.xlane v3, v0;
	_ =	sdelay $0x1  }
0x2b1: {  	v4 =	vadd.s32 v1, v4;
	_ =	sdelay $0x3  }
0x2b2: {  	v3 =	vperm.xlane v3, v2  }
0x2b3: {  	[tilespmem:s0], [sflag:$0x4] =	stream.indirect_vreg.gather [hbm4b:s2+s3], $0x80, v4, vm0, $0xb8;
	[tilespmem:$0x18200] =	vst v63  }
0x2b4: {  	s30 =	simm.s32 $0x12A00;
	v3 =	vadd.s32 v1, v3  }
0x2b5: {  	[tilespmem:s30], [sflag:$0x4] =	stream.indirect_vreg.gather [hbm4b:s5+s3], $0x80, v4, vm0, $0xb8;
	[tilespmem:$0x18200] =	vst v63  }
0x2b6: {  	s31 =	simm.s32 $0x13200  }
0x2b7: {  	[tilespmem:s31], [sflag:$0x4] =	stream.indirect_vreg.gather [hbm4b:s6+s3], $0x80, v4, vm0, $0xb8;
	[tilespmem:$0x18200] =	vst v63  }
0x2b8: {  	s16 =	simm.s32 $0x13A00  }
0x2b9: {  	[tilespmem:s16], [sflag:$0x4] =	stream.indirect_vreg.gather [hbm4b:s2+s3], $0x80, v3, vm0, $0xb8;
	[tilespmem:$0x18200] =	vst v63  }
0x2ba: {  	s17 =	simm.s32 $0x14200  }
0x2bb: {  	[tilespmem:s17], [sflag:$0x4] =	stream.indirect_vreg.gather [hbm4b:s5+s3], $0x80, v3, vm0, $0xb8;
	[tilespmem:$0x18200] =	vst v63  }
0x2bc: {  	s18 =	simm.s32 $0x14A00  }
0x2bd: {  	[tilespmem:s18], [sflag:$0x4] =	stream.indirect_vreg.gather [hbm4b:s6+s3], $0x80, v3, vm0, $0xb8;
	[tilespmem:$0x18200] =	vst v63  }
0x2be: {  	v3 =	vld [tilespmem:$0x1F0];
	_ =	sdelay $0x4  }
0x2bf: {  	v63 =	vshrl.u32 v3, $0x3  }
0x2c0: {  	v4 =	vmul.u32 $0x30, v63  }
0x2c1: {  	v3 =	vand.u32 $0x7, v3  }
0x2c2: {  	v3 =	vor.u32 v3, v4  }
0x2c3: {  	v4 =	vperm.xlane v3, v0;
	_ =	sdelay $0x1  }
0x2c4: {  	v4 =	vadd.s32 v1, v4;
	_ =	sdelay $0x3  }
0x2c5: {  	s19 =	simm.s32 $0x15200;
	v3 =	vperm.xlane v3, v2  }
0x2c6: {  	[tilespmem:s19], [sflag:$0x4] =	stream.indirect_vreg.gather [hbm4b:s2+s3], $0x80, v4, vm0, $0xb8;
	[tilespmem:$0x18200] =	vst v63  }
0x2c7: {  	s20 =	simm.s32 $0x15A00;
	v3 =	vadd.s32 v1, v3  }
0x2c8: {  	[tilespmem:s20], [sflag:$0x4] =	stream.indirect_vreg.gather [hbm4b:s5+s3], $0x80, v4, vm0, $0xb8;
	[tilespmem:$0x18200] =	vst v63  }
0x2c9: {  	s23 =	simm.s32 $0x16200  }
0x2ca: {  	[tilespmem:s23], [sflag:$0x4] =	stream.indirect_vreg.gather [hbm4b:s6+s3], $0x80, v4, vm0, $0xb8;
	[tilespmem:$0x18200] =	vst v63  }
0x2cb: {  	s24 =	simm.s32 $0x16A00  }
0x2cc: {  	[tilespmem:s24], [sflag:$0x4] =	stream.indirect_vreg.gather [hbm4b:s2+s3], $0x80, v3, vm0, $0xb8;
	[tilespmem:$0x18200] =	vst v63  }
0x2cd: {  	s25 =	simm.s32 $0x17200  }
0x2ce: {  	[tilespmem:s25], [sflag:$0x4] =	stream.indirect_vreg.gather [hbm4b:s5+s3], $0x80, v3, vm0, $0xb8;
	[tilespmem:$0x18200] =	vst v63  }
0x2cf: {  	s26 =	simm.s32 $0x17A00  }
0x2d0: {  	[tilespmem:s26], [sflag:$0x4] =	stream.indirect_vreg.gather [hbm4b:s6+s3], $0x80, v3, vm0, $0xb8;
	[tilespmem:$0x18200] =	vst v63  }
0x2d1: {  	_ =	swait.ge [sflag:s11], $0x6000  }
0x2d2: {  	[sflag:s11] =	ssyncset.done $0x0  }
0x2d3: {  	s28 =	rddreg [dreg:$0x10];
	[sflag:s11] =	ssyncadd.s32 $0xFFFFA000  }
0x2d4: {  	[hbm4b:s28+s3] =	stream.linear.scatter [tilespmem:s21], [sflag:$0x5], $0x6000, $0x38;
	[tilespmem:$0x18200] =	vst v63  }
0x2d5: {  	_ =	swait.ge [sflag:s8], $0x6000  }
0x2d6: {  	[sflag:s8] =	ssyncset.done $0x0  }
0x2d7: {  	[sflag:s8] =	ssyncadd.s32 $0xFFFFA000  }
0x2d8: {  	_ =	swait.ge [sflag:s12], $0x6000  }
0x2d9: {  	[sflag:s12] =	ssyncset.done $0x0  }
0x2da: {  	s29 =	rddreg [dreg:$0x11];
	[sflag:s12] =	ssyncadd.s32 $0xFFFFA000  }
0x2db: {  	[hbm4b:s29+s3] =	stream.linear.scatter [tilespmem:s4], [sflag:$0x5], $0x6000, $0x38;
	[tilespmem:$0x18200] =	vst v63  }
0x2dc: {  	_ =	swait.ge [sflag:s8], $0x6000  }
0x2dd: {  	[sflag:s8] =	ssyncset.done $0x0  }
0x2de: {  	[sflag:s8] =	ssyncadd.s32 $0xFFFFA000  }
0x2df: {  	_ =	swait.ge [sflag:s13], $0x6000  }
0x2e0: {  	[sflag:s13] =	ssyncset.done $0x0  }
0x2e1: {  	s30 =	rddreg [dreg:$0x12];
	[sflag:s13] =	ssyncadd.s32 $0xFFFFA000  }
0x2e2: {  	[hbm4b:s30+s3] =	stream.linear.scatter [tilespmem:s22], [sflag:$0x5], $0x6000, $0x38;
	[tilespmem:$0x18200] =	vst v63  }
0x2e3: {  	_ =	swait.ge [sflag:s8], $0x6000  }
0x2e4: {  	[sflag:s8] =	ssyncset.done $0x0  }
0x2e5: {  	[sflag:s8] =	ssyncadd.s32 $0xFFFFA000  }
0x2e6: {  	_ =	swait.ge [sflag:s14], $0x6000  }
0x2e7: {  	p0 =	sne.s32 s7, $0x1;
	[sflag:s14] =	ssyncset.done $0x0  }
.Ltmp0:
0x2e8: {  	s31 =	rddreg [dreg:$0x13];
	[sflag:s14] =	ssyncadd.s32 $0xFFFFA000;
	(pc) =	sbr.rel @p0 .LBB2_1-.Ltmp0, $4  }
0x2e9: {  	[hbm4b:s31+s3] =	stream.linear.scatter [tilespmem:s0], [sflag:$0x5], $0x6000, $0x38;
	[tilespmem:$0x18200] =	vst v63  }
0x2ea: {  	_ =	swait.ge [sflag:s8], $0x6000  }
0x2eb: {  	[sflag:s8] =	ssyncset.done $0x0  }
0x2ec: {  	s7 =	sadd.s32 $0xFFFFFFFF, s7;
	[sflag:s8] =	ssyncadd.s32 $0xFFFFA000  }
0x2ed: {  	_ =	sfence.sel $0x180000  }
0x2ee: {  	[bflag:$0x0] =	sbarrier.arrive $0xFFFF  }
0x2ef: {  	_ =	strace $0x90000047  }
0x2f0: {  	s0 =	stileid.u32;
	[bflag:$0x2] =	sbarrier.arrive $0xFFFF  }
0x2f1: {  	p0 =	sne.s32 s0, $0x0;
	s0 =	rddreg [dreg:$0x3]  }
0x2f2: {  	s0 =	sadd.s32 @!p0 $0x100000, s0  }
0x2f3: {  	[sflag:s0] =	ssyncadd.tile.s32 @!p0 $0x1;
	_ =	shalt  }
.Lfunc_end2:
_tile_overlayer_lowered:
.L_overlay_start_2:
0x2f4: {  	(tag) =	ssettag $0x2  }
0x2f5: {  	s0 =	rddreg [dreg:$0x0];
	s2 =	stileid.u32  }
0x2f6: {  	s1 =	rddreg [dreg:$0x1];
	p0 =	sne.s32 s2, $0x0  }
0x2f7: {  	s3 =	rddreg [dreg:$0x2];
	[bflag:$0x3] =	sbarrier.arrive $0xFFFF;
	s2 =	simm.s32 @!p0 $0x1C05  }
0x2f8: {  	[timem:s3], [sflag:s2] =	dma.local @!p0 [hbm:s0], s1  }
0x2f9: {  	s0 =	simm.s32 @!p0 $0x5  }
0x2fa: {  	_ =	swait.ge @!p0 [sflag:s0], s1  }
0x2fb: {  	s1 =	ssub.s32 @!p0 $0x0, s1;
	[sflag:s0] =	ssyncset.done @!p0 $0x0  }
0x2fc: {  	[sflag:s0] =	ssyncadd.s32 @!p0 s1  }
0x2fd: {  	[bflag:$0x3] =	sbarrier.arrive $0xFFFF  }
0x2fe: {  	_ =	shalt  }

</sc_bundles>
